<compile_context>
chip_gen: v7x
topology: tpu7x:2x2x1
jax: 0.10.2.dev20260603
libtpu: 0.0.44.dev20260713+nightly
codegen_flags: <defaults>
</compile_context>

<pallas_src>
import functools
import math

import numpy as np
import jax
import jax.numpy as jnp
from jax import lax
from jax.experimental import pallas as pl
from jax.experimental.pallas import tpu as pltpu
from jax.experimental.pallas import tpu_sc as plsc

N = 10000
E = 320000
IN_DIM = 128
H = 8
D = 16
D_SEM = 4
NUM_ROT = 6
CLAMP = 5.0
HD = H * D

NPAD = 10240
NW = 32
EPW = E // NW
CH = 80
NCH = EPW // CH
ROWS_PER_SUB = NPAD // 16


def _build_consts():
    nr = H * NUM_ROT
    Bc = np.zeros((nr, HD), np.float32)
    Bs = np.zeros((nr, HD), np.float32)
    P = np.zeros((HD, HD), np.float32)
    semmask = np.zeros((1, HD), np.float32)
    Msc = np.zeros((HD, H), np.float32)
    B8 = np.zeros((H, HD), np.float32)
    for h in range(H):
        base = D * h
        for j in range(D_SEM):
            semmask[0, base + j] = 1.0
            P[base + j, base + j] = 1.0
        for r in range(NUM_ROT):
            e = base + D_SEM + 2 * r
            o = e + 1
            Bc[h * NUM_ROT + r, e] = 1.0
            Bc[h * NUM_ROT + r, o] = 1.0
            Bs[h * NUM_ROT + r, e] = -1.0
            Bs[h * NUM_ROT + r, o] = 1.0
            P[o, e] = 1.0
            P[e, o] = 1.0
        for j in range(D):
            Msc[base + j, h] = (1.0 / math.sqrt(D_SEM)) if j < D_SEM \
                else (1.0 / math.sqrt(D - D_SEM))
            B8[h, base + j] = 1.0
    B16 = np.concatenate([B8, np.zeros((8, HD), np.float32)], axis=0)
    return Bc, Bs, P, semmask, Msc, B8, B16


_Bc, _Bs, _P, _SEM, _Msc, _B8, _B16 = _build_consts()


def _node_body(x_ref, rrwp_ref, wq_ref, wk_ref, wv_ref, bq_ref, bk_ref, bv_ref,
               wa_ref, bc_ref, bs_ref, sem_ref, p_ref,
               q_out, k_out, v_out):
    x = x_ref[...]
    f32 = jnp.float32
    q = jnp.dot(x, wq_ref[...], preferred_element_type=f32) + bq_ref[...]
    k = jnp.dot(x, wk_ref[...], preferred_element_type=f32) + bk_ref[...]
    v = jnp.dot(x, wv_ref[...], preferred_element_type=f32) + bv_ref[...]
    ang = jnp.dot(rrwp_ref[...], wa_ref[...], preferred_element_type=f32)
    cc = jnp.dot(jnp.cos(ang), bc_ref[...], preferred_element_type=f32) + sem_ref[...]
    ss = jnp.dot(jnp.sin(ang), bs_ref[...], preferred_element_type=f32)
    q_out[...] = q * cc + jnp.dot(q, p_ref[...], preferred_element_type=f32) * ss
    k_out[...] = k * cc + jnp.dot(k, p_ref[...], preferred_element_type=f32) * ss
    v_out[...] = v


def _node_stage(x, rrwp, WqT, WkT, WvT, bq, bk, bv, WA):
    bn = 1000
    grid = (N // bn,)
    row = lambda i: (i, 0)
    fixed = lambda i: (0, 0)
    consts = [jnp.asarray(_Bc), jnp.asarray(_Bs), jnp.asarray(_SEM), jnp.asarray(_P)]
    return pl.pallas_call(
        _node_body,
        grid=grid,
        in_specs=[
            pl.BlockSpec((bn, IN_DIM), row),
            pl.BlockSpec((bn, 16), row),
            pl.BlockSpec((IN_DIM, HD), fixed),
            pl.BlockSpec((IN_DIM, HD), fixed),
            pl.BlockSpec((IN_DIM, HD), fixed),
            pl.BlockSpec((1, HD), fixed),
            pl.BlockSpec((1, HD), fixed),
            pl.BlockSpec((1, HD), fixed),
            pl.BlockSpec((16, H * NUM_ROT), fixed),
            pl.BlockSpec((H * NUM_ROT, HD), fixed),
            pl.BlockSpec((H * NUM_ROT, HD), fixed),
            pl.BlockSpec((1, HD), fixed),
            pl.BlockSpec((HD, HD), fixed),
        ],
        out_specs=[
            pl.BlockSpec((bn, HD), row),
            pl.BlockSpec((bn, HD), row),
            pl.BlockSpec((bn, HD), row),
        ],
        out_shape=[jax.ShapeDtypeStruct((N, HD), jnp.float32)] * 3,
    )(x, rrwp, WqT, WkT, WvT, bq, bk, bv, WA, *consts)


def _gather_body(k_hbm, q_hbm, v_hbm, src2d, dst2d,
                 ks_out, qd_out, vs_out,
                 idxs_v, idxd_v,
                 kbuf0, qbuf0, vbuf0, kbuf1, qbuf1, vbuf1, sem0, sem1):
    wid = lax.axis_index("s") * 2 + lax.axis_index("c")
    base = wid * EPW
    pltpu.sync_copy(src2d.at[wid], idxs_v)
    pltpu.sync_copy(dst2d.at[wid], idxd_v)

    def issue(j, kb, qb, vb, sem):
        pltpu.async_copy(k_hbm.at[idxs_v.at[j]], kb, sem)
        pltpu.async_copy(q_hbm.at[idxd_v.at[j]], qb, sem)
        pltpu.async_copy(v_hbm.at[idxs_v.at[j]], vb, sem)

    def drain_write(j, kb, qb, vb, sem):
        off = base + j * CH
        pltpu.make_async_copy(k_hbm.at[pl.ds(0, CH)], kb, sem).wait()
        pltpu.make_async_copy(q_hbm.at[pl.ds(0, CH)], qb, sem).wait()
        pltpu.make_async_copy(v_hbm.at[pl.ds(0, CH)], vb, sem).wait()
        pltpu.sync_copy(kb, ks_out.at[pl.ds(off, CH)])
        pltpu.sync_copy(qb, qd_out.at[pl.ds(off, CH)])
        pltpu.sync_copy(vb, vs_out.at[pl.ds(off, CH)])

    issue(0, kbuf0, qbuf0, vbuf0, sem0)

    def step(i, carry):
        issue(2 * i + 1, kbuf1, qbuf1, vbuf1, sem1)
        drain_write(2 * i, kbuf0, qbuf0, vbuf0, sem0)
        issue(2 * i + 2, kbuf0, qbuf0, vbuf0, sem0)
        drain_write(2 * i + 1, kbuf1, qbuf1, vbuf1, sem1)
        return carry

    lax.fori_loop(0, (NCH - 1) // 2, step, 0)
    drain_write(NCH - 1, kbuf0, qbuf0, vbuf0, sem0)


def _gather_stage(k_h, q_h, v_h, src2d, dst2d):
    mesh = plsc.VectorSubcoreMesh(core_axis_name="c", subcore_axis_name="s")
    f = pl.kernel(
        _gather_body,
        out_type=[jax.ShapeDtypeStruct((E, HD), jnp.float32)] * 3,
        mesh=mesh,
        scratch_types=[
            pltpu.VMEM((NCH, CH), jnp.int32),
            pltpu.VMEM((NCH, CH), jnp.int32),
            pltpu.VMEM((CH, HD), jnp.float32),
            pltpu.VMEM((CH, HD), jnp.float32),
            pltpu.VMEM((CH, HD), jnp.float32),
            pltpu.VMEM((CH, HD), jnp.float32),
            pltpu.VMEM((CH, HD), jnp.float32),
            pltpu.VMEM((CH, HD), jnp.float32),
            pltpu.SemaphoreType.DMA,
            pltpu.SemaphoreType.DMA,
        ],
    )
    return f(k_h, q_h, v_h, src2d, dst2d)


def _edge_body(ea_ref, ks_ref, qd_ref, vs_ref,
               wew_ref, web_ref, bew_ref, beb_ref, wwe_ref, bwe_ref,
               msc_ref, b8_ref,
               we_out, pv_out, p128_out):
    f32 = jnp.float32
    ea = ea_ref[...]
    ks = ks_ref[...]
    qd = qd_ref[...]
    ew = jnp.dot(ea, wew_ref[...], preferred_element_type=f32) + bew_ref[...]
    eb = jnp.dot(ea, web_ref[...], preferred_element_type=f32) + beb_ref[...]
    ebias = jnp.dot(ea, wwe_ref[...], preferred_element_type=f32) + bwe_ref[...]
    logit = jnp.dot(qd * ks, msc_ref[...], preferred_element_type=f32) + ebias
    logit = jnp.clip(logit, -CLAMP, CLAMP)
    p = jnp.exp(logit)
    et = (ks + qd) * ew
    we_out[...] = jnp.sign(et) * jnp.sqrt(jnp.abs(et)) + eb
    p128 = jnp.dot(p, b8_ref[...], preferred_element_type=f32)
    pv_out[...] = vs_ref[...] * p128
    p128_out[...] = p128


def _edge_stage(edge_attr, ksrc, qdst, vsrc, WEwT, WEbT, bEw, bEb, WweT, bwe):
    be = 3200
    grid = (E // be,)
    row = lambda i: (i, 0)
    fixed = lambda i: (0, 0)
    return pl.pallas_call(
        _edge_body,
        grid=grid,
        in_specs=[
            pl.BlockSpec((be, IN_DIM), row),
            pl.BlockSpec((be, HD), row),
            pl.BlockSpec((be, HD), row),
            pl.BlockSpec((be, HD), row),
            pl.BlockSpec((IN_DIM, HD), fixed),
            pl.BlockSpec((IN_DIM, HD), fixed),
            pl.BlockSpec((1, HD), fixed),
            pl.BlockSpec((1, HD), fixed),
            pl.BlockSpec((IN_DIM, H), fixed),
            pl.BlockSpec((1, H), fixed),
            pl.BlockSpec((HD, H), fixed),
            pl.BlockSpec((H, HD), fixed),
        ],
        out_specs=[
            pl.BlockSpec((be, HD), row),
            pl.BlockSpec((be, HD), row),
            pl.BlockSpec((be, HD), row),
        ],
        out_shape=[
            jax.ShapeDtypeStruct((E, HD), jnp.float32),
            jax.ShapeDtypeStruct((E, HD), jnp.float32),
            jax.ShapeDtypeStruct((E, HD), jnp.float32),
        ],
    )(edge_attr, ksrc, qdst, vsrc, WEwT, WEbT, bEw, bEb, WweT, bwe,
      jnp.asarray(_Msc), jnp.asarray(_B8))


def _scatter_body(pv_hbm, p128_hbm, dst2d, zwv,
                  wv_out, s_out,
                  idxd_v, buf0, buf1, wv_sh, sem0, sem1):
    c = lax.axis_index("c")
    sid = lax.axis_index("s")
    wid = sid * 2 + c
    base = wid * EPW
    r0 = sid * ROWS_PER_SUB
    pltpu.sync_copy(dst2d.at[wid], idxd_v)

    def one_pass(src_hbm, out_hbm):
        pltpu.sync_copy(zwv, buf0)

        def zstep(i, carry):
            pltpu.sync_copy(buf0, wv_sh.at[pl.ds(r0 + i * CH, CH)])
            return carry

        lax.fori_loop(0, ROWS_PER_SUB // CH, zstep, 0)
        plsc.subcore_barrier()

        def load(j, buf, sem):
            pltpu.async_copy(src_hbm.at[pl.ds(base + j * CH, CH)], buf, sem)

        def drain_scatter(j, buf, sem):
            pltpu.make_async_copy(src_hbm.at[pl.ds(0, CH)], buf, sem).wait()
            pltpu.sync_copy(buf, wv_sh.at[idxd_v.at[j]], add=True)

        load(0, buf0, sem0)

        def step(i, carry):
            load(2 * i + 1, buf1, sem1)
            drain_scatter(2 * i, buf0, sem0)
            load(2 * i + 2, buf0, sem0)
            drain_scatter(2 * i + 1, buf1, sem1)
            return carry

        lax.fori_loop(0, (NCH - 1) // 2, step, 0)
        drain_scatter(NCH - 1, buf0, sem0)
        plsc.subcore_barrier()

        def wstep(i, carry):
            pltpu.sync_copy(wv_sh.at[pl.ds(r0 + i * CH, CH)], buf0)
            pltpu.sync_copy(buf0, out_hbm.at[c, pl.ds(r0 + i * CH, CH)])
            return carry

        lax.fori_loop(0, ROWS_PER_SUB // CH, wstep, 0)

    one_pass(pv_hbm, wv_out)
    plsc.subcore_barrier()
    one_pass(p128_hbm, s_out)


def _scatter_stage(pv, p128, dst2d):
    mesh = plsc.VectorSubcoreMesh(core_axis_name="c", subcore_axis_name="s")
    zwv = jnp.zeros((CH, HD), jnp.float32)
    f = pl.kernel(
        _scatter_body,
        out_type=[
            jax.ShapeDtypeStruct((2, NPAD, HD), jnp.float32),
            jax.ShapeDtypeStruct((2, NPAD, HD), jnp.float32),
        ],
        mesh=mesh,
        scratch_types=[
            pltpu.VMEM((NCH, CH), jnp.int32),
            pltpu.VMEM((CH, HD), jnp.float32),
            pltpu.VMEM((CH, HD), jnp.float32),
            pltpu.VMEM_SHARED((NPAD, HD), jnp.float32),
            pltpu.SemaphoreType.DMA,
            pltpu.SemaphoreType.DMA,
        ],
    )
    return f(pv, p128, dst2d, zwv)


def _final_body(wv2_ref, s2_ref, out_ref):
    acc = wv2_ref[0] + wv2_ref[1]
    denom = s2_ref[0] + s2_ref[1] + 1e-16
    out_ref[...] = acc / denom


def _final_stage(wv2, s2):
    bn = 2048
    grid = (NPAD // bn,)
    return pl.pallas_call(
        _final_body,
        grid=grid,
        in_specs=[
            pl.BlockSpec((2, bn, HD), lambda i: (0, i, 0)),
            pl.BlockSpec((2, bn, HD), lambda i: (0, i, 0)),
        ],
        out_specs=pl.BlockSpec((bn, HD), lambda i: (i, 0)),
        out_shape=jax.ShapeDtypeStruct((NPAD, HD), jnp.float32),
    )(wv2, s2)


def kernel(x, edge_index, edge_attr, rrwp, Wq, bq, Wk, bk, Wv, bv,
           WE, bE, Wwe, bwe, W_angles):
    f32 = jnp.float32
    WqT = Wq.T
    WkT = Wk.T
    WvT = Wv.T
    WA = jnp.transpose(W_angles, (1, 0, 2)).reshape(16, H * NUM_ROT)
    idx_w = np.concatenate([np.arange(32 * h, 32 * h + 16) for h in range(H)])
    idx_b = np.concatenate([np.arange(32 * h + 16, 32 * h + 32) for h in range(H)])
    WEwT = WE[idx_w].T
    WEbT = WE[idx_b].T
    bEw = bE[idx_w].reshape(1, HD)
    bEb = bE[idx_b].reshape(1, HD)
    WweT = Wwe.T
    src2d = edge_index[0].astype(jnp.int32).reshape(NW, NCH, CH)
    dst2d = edge_index[1].astype(jnp.int32).reshape(NW, NCH, CH)

    q_h, k_h, v_h = _node_stage(
        x, rrwp, WqT, WkT, WvT,
        bq.reshape(1, HD), bk.reshape(1, HD), bv.reshape(1, HD), WA)
    ksrc, qdst, vsrc = _gather_stage(k_h, q_h, v_h, src2d, dst2d)
    wE, pv, p128 = _edge_stage(edge_attr, ksrc, qdst, vsrc,
                               WEwT, WEbT, bEw, bEb, WweT, bwe.reshape(1, H))
    wv2, s2 = _scatter_stage(pv, p128, dst2d)
    wv = _final_stage(wv2, s2)
    return wv[:N].reshape(N, H, D), wE

# --- scband reference (transcript-rebuilt; emitter-appended) ---
"""Pipeline reference for scband-multi-head-attention-layer-grit-ro-pe-62955630625330 (READ-ONLY COPY).

The authoritative reference and input builder live on the scoring server;
editing this copy changes nothing except your own understanding.
"""

import math
import jax, jax.numpy as jnp
import numpy as np

N_NODES = 10000
N_EDGES = 320000
IN_DIM = 128
H = 8
D = 16
D_SEM = 4
D_STRUCT = 12
NUM_ROT = 6
KSTEPS = 16
CLAMP = 5.0


def _apply_rotation(x, cos_a, sin_a):
    x_even = x[..., 0::2]
    x_odd = x[..., 1::2]
    rot_even = x_even * cos_a - x_odd * sin_a
    rot_odd = x_even * sin_a + x_odd * cos_a
    out = jnp.stack([rot_even, rot_odd], axis=-1)
    return out.reshape(out.shape[:-2] + (-1,))


def setup_inputs(seed: int = 0) -> dict:
    key = jax.random.key(seed)
    ks = jax.random.split(key, 16)
    x = jax.random.normal(ks[0], (N_NODES, IN_DIM), dtype=jnp.float32)
    edge_index = jax.random.randint(ks[1], (2, N_EDGES), 0, N_NODES, dtype=jnp.int64 if jax.config.jax_enable_x64 else jnp.int32)
    edge_attr = jax.random.normal(ks[2], (N_EDGES, IN_DIM), dtype=jnp.float32)
    rrwp = jax.random.uniform(ks[3], (N_NODES, KSTEPS), dtype=jnp.float32)
    s = 1.0 / math.sqrt(IN_DIM)
    Wq = jax.random.normal(ks[4], (H * D, IN_DIM), dtype=jnp.float32) * s
    bq = jnp.zeros((H * D,), dtype=jnp.float32)
    Wk = jax.random.normal(ks[5], (H * D, IN_DIM), dtype=jnp.float32) * s
    bk = jnp.zeros((H * D,), dtype=jnp.float32)
    Wv = jax.random.normal(ks[6], (H * D, IN_DIM), dtype=jnp.float32) * s
    bv = jnp.zeros((H * D,), dtype=jnp.float32)
    WE = jax.random.normal(ks[7], (H * D * 2, IN_DIM), dtype=jnp.float32) * s
    bE = jnp.zeros((H * D * 2,), dtype=jnp.float32)
    Wwe = jax.random.normal(ks[8], (H, IN_DIM), dtype=jnp.float32) * s
    bwe = jnp.zeros((H,), dtype=jnp.float32)
    W_angles = jax.random.normal(ks[9], (H, KSTEPS, NUM_ROT), dtype=jnp.float32) * 0.02
    return {"x": x, "edge_index": edge_index, "edge_attr": edge_attr, "rrwp": rrwp,
            "Wq": Wq, "bq": bq, "Wk": Wk, "bk": bk, "Wv": Wv, "bv": bv,
            "WE": WE, "bE": bE, "Wwe": Wwe, "bwe": bwe, "W_angles": W_angles}


def reference(x, edge_index, edge_attr, rrwp, Wq, bq, Wk, bk, Wv, bv, WE, bE, Wwe, bwe, W_angles):
    N = x.shape[0]
    Q_h = (x @ Wq.T + bq).reshape(N, H, D)
    K_h = (x @ Wk.T + bk).reshape(N, H, D)
    V_h = (x @ Wv.T + bv).reshape(N, H, D)
    # RoPE-style structural rotation from RRWP diagonals
    angles = jnp.einsum('nk,hkr->nhr', rrwp, W_angles)
    cos_a = jnp.cos(angles)
    sin_a = jnp.sin(angles)
    Q_sem, Q_str = Q_h[..., :D_SEM], Q_h[..., D_SEM:]
    K_sem, K_str = K_h[..., :D_SEM], K_h[..., D_SEM:]
    Q_str = _apply_rotation(Q_str, cos_a, sin_a)
    K_str = _apply_rotation(K_str, cos_a, sin_a)
    Q_h = jnp.concatenate([Q_sem, Q_str], axis=-1)
    K_h = jnp.concatenate([K_sem, K_str], axis=-1)
    # edge projections
    E_full = edge_attr @ WE.T + bE
    e_bias = edge_attr @ Wwe.T + bwe
    src = edge_index[0]
    dst = edge_index[1]
    K_src = K_h[src]
    Q_dst = Q_h[dst]
    sem_logit = (Q_dst[..., :D_SEM] * K_src[..., :D_SEM]).sum(-1) / math.sqrt(D_SEM)
    str_logit = (Q_dst[..., D_SEM:] * K_src[..., D_SEM:]).sum(-1) / math.sqrt(D_STRUCT)
    logit = sem_logit + str_logit + e_bias
    logit = jnp.clip(logit, -CLAMP, CLAMP)
    # GRIT edge stream update
    E_proj = E_full.reshape(-1, H, 2 * D)
    E_w = E_proj[..., :D]
    E_b = E_proj[..., D:]
    e_t = (K_src + Q_dst) * E_w
    e_t = jnp.sqrt(jax.nn.relu(e_t)) - jnp.sqrt(jax.nn.relu(-e_t))
    e_t = e_t + E_b
    wE = e_t.reshape(e_t.shape[0], -1)
    # segment softmax over destination nodes (pyg_softmax)
    m = jax.ops.segment_max(logit, dst, num_segments=N)
    m = jnp.where(jnp.isfinite(m), m, 0.0)
    ex = jnp.exp(logit - m[dst])
    s = jax.ops.segment_sum(ex, dst, num_segments=N)
    attn = ex / (s[dst] + 1e-16)
    msg = V_h[src] * attn[..., None]
    wV = jax.ops.segment_sum(msg, dst, num_segments=N)
    return (wV, wE)

if __name__ == "__main__":
    import jax
    _d = setup_inputs()
    print(jax.jit(kernel)(*tuple(_d.values())))

</pallas_src>

<mosaic_0001>
#map = affine_map<(d0, d1) -> (0, 0)>
#map1 = affine_map<(d0, d1) -> (0, 0, 0)>
module attributes {stable_mosaic.version = 14 : i64} {
  func.func @_gather_body(%arg0: i32, %arg1: i32, %arg2: memref<10000x128xf32, #tpu.memory_space<hbm>>, %arg3: memref<10000x128xf32, #tpu.memory_space<hbm>>, %arg4: memref<10000x128xf32, #tpu.memory_space<hbm>>, %arg5: memref<32x125x80xi32, #tpu.memory_space<hbm>>, %arg6: memref<32x125x80xi32, #tpu.memory_space<hbm>>, %arg7: memref<320000x128xf32, #tpu.memory_space<hbm>>, %arg8: memref<320000x128xf32, #tpu.memory_space<hbm>>, %arg9: memref<320000x128xf32, #tpu.memory_space<hbm>>, %arg10: memref<125x80xi32, #tpu.memory_space<vmem>>, %arg11: memref<125x80xi32, #tpu.memory_space<vmem>>, %arg12: memref<80x128xf32, #tpu.memory_space<vmem>>, %arg13: memref<80x128xf32, #tpu.memory_space<vmem>>, %arg14: memref<80x128xf32, #tpu.memory_space<vmem>>, %arg15: memref<80x128xf32, #tpu.memory_space<vmem>>, %arg16: memref<80x128xf32, #tpu.memory_space<vmem>>, %arg17: memref<80x128xf32, #tpu.memory_space<vmem>>, %arg18: memref<!tpu.dma_semaphore, #tpu.memory_space<semaphore_mem>>, %arg19: memref<!tpu.dma_semaphore, #tpu.memory_space<semaphore_mem>>) attributes {dimension_semantics = [#tpu.dimension_semantics<core_parallel>, #tpu.dimension_semantics<subcore_parallel>], iteration_bounds = array<i64: 2, 16>, scalar_prefetch = 0 : i64, scratch_operands = 10 : i64, tpu.core_type = #tpu.core_type<sc_vector_subcore>, window_params = [{transform_indices = #map}, {transform_indices = #map}, {transform_indices = #map}, {transform_indices = #map1}, {transform_indices = #map1}, {transform_indices = #map}, {transform_indices = #map}, {transform_indices = #map}]} {
    %mul3A = arith.constant 2 : i32
    %mul3A_0 = arith.muli %arg1, %mul3A : i32
    %add3A = arith.addi %mul3A_0, %arg0 : i32
    %mul3A_1 = arith.constant 10000 : i32
    %mul3A_2 = arith.muli %add3A, %mul3A_1 : i32
    "tpu.region"() ({
      %run_scoped3A = tpu.sem_alloc : memref<!tpu.dma_semaphore, #tpu.memory_space<semaphore_mem>>
      %dma_start3A_47 = arith.constant 0 : i32
      %dma_start3A_48 = arith.constant 0 : i32
      %dma_start3A_49 = tpu.memref_slice %arg5[%add3A, %dma_start3A_47, %dma_start3A_48] : memref<32x125x80xi32, #tpu.memory_space<hbm>> -> memref<1x125x80xi32, #tpu.memory_space<hbm>>
      %dma_start3A_50 = tpu.memref_squeeze %dma_start3A_49 : memref<1x125x80xi32, #tpu.memory_space<hbm>> -> memref<125x80xi32, #tpu.memory_space<hbm>>
      %dma_start3A_51 = arith.constant 0 : i32
      %dma_start3A_52 = arith.constant 0 : i32
      %dma_start3A_53 = tpu.memref_slice %arg5[%add3A, %dma_start3A_51, %dma_start3A_52] : memref<32x125x80xi32, #tpu.memory_space<hbm>> -> memref<1x125x80xi32, #tpu.memory_space<hbm>>
      %dma_start3A_54 = tpu.memref_squeeze %dma_start3A_53 : memref<1x125x80xi32, #tpu.memory_space<hbm>> -> memref<125x80xi32, #tpu.memory_space<hbm>>
      tpu.enqueue_dma source(%dma_start3A_54 : memref<125x80xi32, #tpu.memory_space<hbm>>) target(%arg10 : memref<125x80xi32, #tpu.memory_space<vmem>>) target_semaphore(%run_scoped3A : memref<!tpu.dma_semaphore, #tpu.memory_space<semaphore_mem>>)
      %dma_wait3A_55 = arith.constant 0 : i32
      %dma_wait3A_56 = arith.constant 0 : i32
      %dma_wait3A_57 = tpu.memref_slice %arg5[%add3A, %dma_wait3A_55, %dma_wait3A_56] : memref<32x125x80xi32, #tpu.memory_space<hbm>> -> memref<1x125x80xi32, #tpu.memory_space<hbm>>
      %dma_wait3A_58 = tpu.memref_squeeze %dma_wait3A_57 : memref<1x125x80xi32, #tpu.memory_space<hbm>> -> memref<125x80xi32, #tpu.memory_space<hbm>>
      %dma_wait3A_59 = arith.constant 0 : i32
      %dma_wait3A_60 = arith.constant 0 : i32
      %dma_wait3A_61 = tpu.memref_slice %arg5[%add3A, %dma_wait3A_59, %dma_wait3A_60] : memref<32x125x80xi32, #tpu.memory_space<hbm>> -> memref<1x125x80xi32, #tpu.memory_space<hbm>>
      %dma_wait3A_62 = tpu.memref_squeeze %dma_wait3A_61 : memref<1x125x80xi32, #tpu.memory_space<hbm>> -> memref<125x80xi32, #tpu.memory_space<hbm>>
      tpu.wait_dma2 semaphore(%run_scoped3A : memref<!tpu.dma_semaphore, #tpu.memory_space<semaphore_mem>>) src(%dma_wait3A_62 : memref<125x80xi32, #tpu.memory_space<hbm>>) dst(%arg10 : memref<125x80xi32, #tpu.memory_space<vmem>>)
      tpu.yield
    }) : () -> ()
    "tpu.region"() ({
      %run_scoped3A = tpu.sem_alloc : memref<!tpu.dma_semaphore, #tpu.memory_space<semaphore_mem>>
      %dma_start3A_47 = arith.constant 0 : i32
      %dma_start3A_48 = arith.constant 0 : i32
      %dma_start3A_49 = tpu.memref_slice %arg6[%add3A, %dma_start3A_47, %dma_start3A_48] : memref<32x125x80xi32, #tpu.memory_space<hbm>> -> memref<1x125x80xi32, #tpu.memory_space<hbm>>
      %dma_start3A_50 = tpu.memref_squeeze %dma_start3A_49 : memref<1x125x80xi32, #tpu.memory_space<hbm>> -> memref<125x80xi32, #tpu.memory_space<hbm>>
      %dma_start3A_51 = arith.constant 0 : i32
      %dma_start3A_52 = arith.constant 0 : i32
      %dma_start3A_53 = tpu.memref_slice %arg6[%add3A, %dma_start3A_51, %dma_start3A_52] : memref<32x125x80xi32, #tpu.memory_space<hbm>> -> memref<1x125x80xi32, #tpu.memory_space<hbm>>
      %dma_start3A_54 = tpu.memref_squeeze %dma_start3A_53 : memref<1x125x80xi32, #tpu.memory_space<hbm>> -> memref<125x80xi32, #tpu.memory_space<hbm>>
      tpu.enqueue_dma source(%dma_start3A_54 : memref<125x80xi32, #tpu.memory_space<hbm>>) target(%arg11 : memref<125x80xi32, #tpu.memory_space<vmem>>) target_semaphore(%run_scoped3A : memref<!tpu.dma_semaphore, #tpu.memory_space<semaphore_mem>>)
      %dma_wait3A_55 = arith.constant 0 : i32
      %dma_wait3A_56 = arith.constant 0 : i32
      %dma_wait3A_57 = tpu.memref_slice %arg6[%add3A, %dma_wait3A_55, %dma_wait3A_56] : memref<32x125x80xi32, #tpu.memory_space<hbm>> -> memref<1x125x80xi32, #tpu.memory_space<hbm>>
      %dma_wait3A_58 = tpu.memref_squeeze %dma_wait3A_57 : memref<1x125x80xi32, #tpu.memory_space<hbm>> -> memref<125x80xi32, #tpu.memory_space<hbm>>
      %dma_wait3A_59 = arith.constant 0 : i32
      %dma_wait3A_60 = arith.constant 0 : i32
      %dma_wait3A_61 = tpu.memref_slice %arg6[%add3A, %dma_wait3A_59, %dma_wait3A_60] : memref<32x125x80xi32, #tpu.memory_space<hbm>> -> memref<1x125x80xi32, #tpu.memory_space<hbm>>
      %dma_wait3A_62 = tpu.memref_squeeze %dma_wait3A_61 : memref<1x125x80xi32, #tpu.memory_space<hbm>> -> memref<125x80xi32, #tpu.memory_space<hbm>>
      tpu.wait_dma2 semaphore(%run_scoped3A : memref<!tpu.dma_semaphore, #tpu.memory_space<semaphore_mem>>) src(%dma_wait3A_62 : memref<125x80xi32, #tpu.memory_space<hbm>>) dst(%arg11 : memref<125x80xi32, #tpu.memory_space<vmem>>)
      tpu.yield
    }) : () -> ()
    %dma_start3A = arith.constant 0 : i32
    %dma_start3A_3 = arith.constant 0 : i32
    %dma_start3A_4 = tpu.memref_slice %arg10[%dma_start3A, %dma_start3A_3] : memref<125x80xi32, #tpu.memory_space<vmem>> -> memref<1x80xi32, #tpu.memory_space<vmem>>
    %dma_start3A_5 = tpu.memref_squeeze %dma_start3A_4 : memref<1x80xi32, #tpu.memory_space<vmem>> -> memref<80xi32, #tpu.memory_space<vmem>>
    %dma_start3A_6 = arith.constant 0 : i32
    %dma_start3A_7 = arith.constant 0 : i32
    %dma_start3A_8 = tpu.memref_slice %arg2[%dma_start3A_6, %dma_start3A_7] : memref<10000x128xf32, #tpu.memory_space<hbm>> -> memref<10000x128xf32, #tpu.memory_space<hbm>>
    tpu.enqueue_indirect_dma source(%dma_start3A_8 : memref<10000x128xf32, #tpu.memory_space<hbm>>) target(%arg12 : memref<80x128xf32, #tpu.memory_space<vmem>>) offsets(%dma_start3A_5 : memref<80xi32, #tpu.memory_space<vmem>>) semaphore(%arg18 : memref<!tpu.dma_semaphore, #tpu.memory_space<semaphore_mem>>)
    %dma_start3A_9 = arith.constant 0 : i32
    %dma_start3A_10 = arith.constant 0 : i32
    %dma_start3A_11 = tpu.memref_slice %arg11[%dma_start3A_9, %dma_start3A_10] : memref<125x80xi32, #tpu.memory_space<vmem>> -> memref<1x80xi32, #tpu.memory_space<vmem>>
    %dma_start3A_12 = tpu.memref_squeeze %dma_start3A_11 : memref<1x80xi32, #tpu.memory_space<vmem>> -> memref<80xi32, #tpu.memory_space<vmem>>
    %dma_start3A_13 = arith.constant 0 : i32
    %dma_start3A_14 = arith.constant 0 : i32
    %dma_start3A_15 = tpu.memref_slice %arg3[%dma_start3A_13, %dma_start3A_14] : memref<10000x128xf32, #tpu.memory_space<hbm>> -> memref<10000x128xf32, #tpu.memory_space<hbm>>
    tpu.enqueue_indirect_dma source(%dma_start3A_15 : memref<10000x128xf32, #tpu.memory_space<hbm>>) target(%arg13 : memref<80x128xf32, #tpu.memory_space<vmem>>) offsets(%dma_start3A_12 : memref<80xi32, #tpu.memory_space<vmem>>) semaphore(%arg18 : memref<!tpu.dma_semaphore, #tpu.memory_space<semaphore_mem>>)
    %dma_start3A_16 = arith.constant 0 : i32
    %dma_start3A_17 = arith.constant 0 : i32
    %dma_start3A_18 = tpu.memref_slice %arg10[%dma_start3A_16, %dma_start3A_17] : memref<125x80xi32, #tpu.memory_space<vmem>> -> memref<1x80xi32, #tpu.memory_space<vmem>>
    %dma_start3A_19 = tpu.memref_squeeze %dma_start3A_18 : memref<1x80xi32, #tpu.memory_space<vmem>> -> memref<80xi32, #tpu.memory_space<vmem>>
    %dma_start3A_20 = arith.constant 0 : i32
    %dma_start3A_21 = arith.constant 0 : i32
    %dma_start3A_22 = tpu.memref_slice %arg4[%dma_start3A_20, %dma_start3A_21] : memref<10000x128xf32, #tpu.memory_space<hbm>> -> memref<10000x128xf32, #tpu.memory_space<hbm>>
    tpu.enqueue_indirect_dma source(%dma_start3A_22 : memref<10000x128xf32, #tpu.memory_space<hbm>>) target(%arg14 : memref<80x128xf32, #tpu.memory_space<vmem>>) offsets(%dma_start3A_19 : memref<80xi32, #tpu.memory_space<vmem>>) semaphore(%arg18 : memref<!tpu.dma_semaphore, #tpu.memory_space<semaphore_mem>>)
    %scan3A = arith.constant 0 : i32
    %scan3A_23 = arith.constant 0 : i32
    %scan3A_24 = arith.constant 62 : i32
    %scan3A_25 = arith.addi %scan3A_23, %scan3A_24 : i32
    %scan3A_26 = arith.constant 1 : i32
    scf.for %scan3A_47 = %scan3A_23 to %scan3A_25 step %scan3A_26  : i32 {
      %mul3A_48 = arith.constant 2 : i32
      %mul3A_49 = arith.muli %mul3A_48, %scan3A_47 : i32
      %add3A_50 = arith.constant 1 : i32
      %add3A_51 = arith.addi %mul3A_49, %add3A_50 : i32
      %dma_start3A_52 = arith.constant 0 : i32
      %dma_start3A_53 = tpu.memref_slice %arg10[%add3A_51, %dma_start3A_52] : memref<125x80xi32, #tpu.memory_space<vmem>> -> memref<1x80xi32, #tpu.memory_space<vmem>>
      %dma_start3A_54 = tpu.memref_squeeze %dma_start3A_53 : memref<1x80xi32, #tpu.memory_space<vmem>> -> memref<80xi32, #tpu.memory_space<vmem>>
      %dma_start3A_55 = arith.constant 0 : i32
      %dma_start3A_56 = arith.constant 0 : i32
      %dma_start3A_57 = tpu.memref_slice %arg2[%dma_start3A_55, %dma_start3A_56] : memref<10000x128xf32, #tpu.memory_space<hbm>> -> memref<10000x128xf32, #tpu.memory_space<hbm>>
      tpu.enqueue_indirect_dma source(%dma_start3A_57 : memref<10000x128xf32, #tpu.memory_space<hbm>>) target(%arg15 : memref<80x128xf32, #tpu.memory_space<vmem>>) offsets(%dma_start3A_54 : memref<80xi32, #tpu.memory_space<vmem>>) semaphore(%arg19 : memref<!tpu.dma_semaphore, #tpu.memory_space<semaphore_mem>>)
      %dma_start3A_58 = arith.constant 0 : i32
      %dma_start3A_59 = tpu.memref_slice %arg11[%add3A_51, %dma_start3A_58] : memref<125x80xi32, #tpu.memory_space<vmem>> -> memref<1x80xi32, #tpu.memory_space<vmem>>
      %dma_start3A_60 = tpu.memref_squeeze %dma_start3A_59 : memref<1x80xi32, #tpu.memory_space<vmem>> -> memref<80xi32, #tpu.memory_space<vmem>>
      %dma_start3A_61 = arith.constant 0 : i32
      %dma_start3A_62 = arith.constant 0 : i32
      %dma_start3A_63 = tpu.memref_slice %arg3[%dma_start3A_61, %dma_start3A_62] : memref<10000x128xf32, #tpu.memory_space<hbm>> -> memref<10000x128xf32, #tpu.memory_space<hbm>>
      tpu.enqueue_indirect_dma source(%dma_start3A_63 : memref<10000x128xf32, #tpu.memory_space<hbm>>) target(%arg16 : memref<80x128xf32, #tpu.memory_space<vmem>>) offsets(%dma_start3A_60 : memref<80xi32, #tpu.memory_space<vmem>>) semaphore(%arg19 : memref<!tpu.dma_semaphore, #tpu.memory_space<semaphore_mem>>)
      %dma_start3A_64 = arith.constant 0 : i32
      %dma_start3A_65 = tpu.memref_slice %arg10[%add3A_51, %dma_start3A_64] : memref<125x80xi32, #tpu.memory_space<vmem>> -> memref<1x80xi32, #tpu.memory_space<vmem>>
      %dma_start3A_66 = tpu.memref_squeeze %dma_start3A_65 : memref<1x80xi32, #tpu.memory_space<vmem>> -> memref<80xi32, #tpu.memory_space<vmem>>
      %dma_start3A_67 = arith.constant 0 : i32
      %dma_start3A_68 = arith.constant 0 : i32
      %dma_start3A_69 = tpu.memref_slice %arg4[%dma_start3A_67, %dma_start3A_68] : memref<10000x128xf32, #tpu.memory_space<hbm>> -> memref<10000x128xf32, #tpu.memory_space<hbm>>
      tpu.enqueue_indirect_dma source(%dma_start3A_69 : memref<10000x128xf32, #tpu.memory_space<hbm>>) target(%arg17 : memref<80x128xf32, #tpu.memory_space<vmem>>) offsets(%dma_start3A_66 : memref<80xi32, #tpu.memory_space<vmem>>) semaphore(%arg19 : memref<!tpu.dma_semaphore, #tpu.memory_space<semaphore_mem>>)
      %mul3A_70 = arith.constant 2 : i32
      %mul3A_71 = arith.muli %mul3A_70, %scan3A_47 : i32
      %mul3A_72 = arith.constant 80 : i32
      %mul3A_73 = arith.muli %mul3A_71, %mul3A_72 : i32
      %add3A_74 = arith.addi %mul3A_2, %mul3A_73 : i32
      %dma_wait3A_75 = arith.constant 0 : i32
      %dma_wait3A_76 = arith.constant 0 : i32
      %dma_wait3A_77 = tpu.memref_slice %arg2[%dma_wait3A_75, %dma_wait3A_76] : memref<10000x128xf32, #tpu.memory_space<hbm>> -> memref<80x128xf32, #tpu.memory_space<hbm>>
      %dma_wait3A_78 = arith.constant 0 : i32
      %dma_wait3A_79 = arith.constant 0 : i32
      %dma_wait3A_80 = tpu.memref_slice %arg2[%dma_wait3A_78, %dma_wait3A_79] : memref<10000x128xf32, #tpu.memory_space<hbm>> -> memref<80x128xf32, #tpu.memory_space<hbm>>
      tpu.wait_dma2 semaphore(%arg18 : memref<!tpu.dma_semaphore, #tpu.memory_space<semaphore_mem>>) src(%dma_wait3A_80 : memref<80x128xf32, #tpu.memory_space<hbm>>) dst(%arg12 : memref<80x128xf32, #tpu.memory_space<vmem>>)
      %dma_wait3A_81 = arith.constant 0 : i32
      %dma_wait3A_82 = arith.constant 0 : i32
      %dma_wait3A_83 = tpu.memref_slice %arg3[%dma_wait3A_81, %dma_wait3A_82] : memref<10000x128xf32, #tpu.memory_space<hbm>> -> memref<80x128xf32, #tpu.memory_space<hbm>>
      %dma_wait3A_84 = arith.constant 0 : i32
      %dma_wait3A_85 = arith.constant 0 : i32
      %dma_wait3A_86 = tpu.memref_slice %arg3[%dma_wait3A_84, %dma_wait3A_85] : memref<10000x128xf32, #tpu.memory_space<hbm>> -> memref<80x128xf32, #tpu.memory_space<hbm>>
      tpu.wait_dma2 semaphore(%arg18 : memref<!tpu.dma_semaphore, #tpu.memory_space<semaphore_mem>>) src(%dma_wait3A_86 : memref<80x128xf32, #tpu.memory_space<hbm>>) dst(%arg13 : memref<80x128xf32, #tpu.memory_space<vmem>>)
      %dma_wait3A_87 = arith.constant 0 : i32
      %dma_wait3A_88 = arith.constant 0 : i32
      %dma_wait3A_89 = tpu.memref_slice %arg4[%dma_wait3A_87, %dma_wait3A_88] : memref<10000x128xf32, #tpu.memory_space<hbm>> -> memref<80x128xf32, #tpu.memory_space<hbm>>
      %dma_wait3A_90 = arith.constant 0 : i32
      %dma_wait3A_91 = arith.constant 0 : i32
      %dma_wait3A_92 = tpu.memref_slice %arg4[%dma_wait3A_90, %dma_wait3A_91] : memref<10000x128xf32, #tpu.memory_space<hbm>> -> memref<80x128xf32, #tpu.memory_space<hbm>>
      tpu.wait_dma2 semaphore(%arg18 : memref<!tpu.dma_semaphore, #tpu.memory_space<semaphore_mem>>) src(%dma_wait3A_92 : memref<80x128xf32, #tpu.memory_space<hbm>>) dst(%arg14 : memref<80x128xf32, #tpu.memory_space<vmem>>)
      "tpu.region"() ({
        %run_scoped3A = tpu.sem_alloc : memref<!tpu.dma_semaphore, #tpu.memory_space<semaphore_mem>>
        %dma_start3A_140 = arith.constant 0 : i32
        %dma_start3A_141 = tpu.memref_slice %arg7[%add3A_74, %dma_start3A_140] : memref<320000x128xf32, #tpu.memory_space<hbm>> -> memref<80x128xf32, #tpu.memory_space<hbm>>
        %dma_start3A_142 = arith.constant 0 : i32
        %dma_start3A_143 = tpu.memref_slice %arg7[%add3A_74, %dma_start3A_142] : memref<320000x128xf32, #tpu.memory_space<hbm>> -> memref<80x128xf32, #tpu.memory_space<hbm>>
        tpu.enqueue_dma source(%arg12 : memref<80x128xf32, #tpu.memory_space<vmem>>) target(%dma_start3A_143 : memref<80x128xf32, #tpu.memory_space<hbm>>) target_semaphore(%run_scoped3A : memref<!tpu.dma_semaphore, #tpu.memory_space<semaphore_mem>>)
        %dma_wait3A_144 = arith.constant 0 : i32
        %dma_wait3A_145 = tpu.memref_slice %arg7[%add3A_74, %dma_wait3A_144] : memref<320000x128xf32, #tpu.memory_space<hbm>> -> memref<80x128xf32, #tpu.memory_space<hbm>>
        %dma_wait3A_146 = arith.constant 0 : i32
        %dma_wait3A_147 = tpu.memref_slice %arg7[%add3A_74, %dma_wait3A_146] : memref<320000x128xf32, #tpu.memory_space<hbm>> -> memref<80x128xf32, #tpu.memory_space<hbm>>
        tpu.wait_dma2 semaphore(%run_scoped3A : memref<!tpu.dma_semaphore, #tpu.memory_space<semaphore_mem>>) src(%arg12 : memref<80x128xf32, #tpu.memory_space<vmem>>) dst(%dma_wait3A_147 : memref<80x128xf32, #tpu.memory_space<hbm>>)
        tpu.yield
      }) : () -> ()
      "tpu.region"() ({
        %run_scoped3A = tpu.sem_alloc : memref<!tpu.dma_semaphore, #tpu.memory_space<semaphore_mem>>
        %dma_start3A_140 = arith.constant 0 : i32
        %dma_start3A_141 = tpu.memref_slice %arg8[%add3A_74, %dma_start3A_140] : memref<320000x128xf32, #tpu.memory_space<hbm>> -> memref<80x128xf32, #tpu.memory_space<hbm>>
        %dma_start3A_142 = arith.constant 0 : i32
        %dma_start3A_143 = tpu.memref_slice %arg8[%add3A_74, %dma_start3A_142] : memref<320000x128xf32, #tpu.memory_space<hbm>> -> memref<80x128xf32, #tpu.memory_space<hbm>>
        tpu.enqueue_dma source(%arg13 : memref<80x128xf32, #tpu.memory_space<vmem>>) target(%dma_start3A_143 : memref<80x128xf32, #tpu.memory_space<hbm>>) target_semaphore(%run_scoped3A : memref<!tpu.dma_semaphore, #tpu.memory_space<semaphore_mem>>)
        %dma_wait3A_144 = arith.constant 0 : i32
        %dma_wait3A_145 = tpu.memref_slice %arg8[%add3A_74, %dma_wait3A_144] : memref<320000x128xf32, #tpu.memory_space<hbm>> -> memref<80x128xf32, #tpu.memory_space<hbm>>
        %dma_wait3A_146 = arith.constant 0 : i32
        %dma_wait3A_147 = tpu.memref_slice %arg8[%add3A_74, %dma_wait3A_146] : memref<320000x128xf32, #tpu.memory_space<hbm>> -> memref<80x128xf32, #tpu.memory_space<hbm>>
        tpu.wait_dma2 semaphore(%run_scoped3A : memref<!tpu.dma_semaphore, #tpu.memory_space<semaphore_mem>>) src(%arg13 : memref<80x128xf32, #tpu.memory_space<vmem>>) dst(%dma_wait3A_147 : memref<80x128xf32, #tpu.memory_space<hbm>>)
        tpu.yield
      }) : () -> ()
      "tpu.region"() ({
        %run_scoped3A = tpu.sem_alloc : memref<!tpu.dma_semaphore, #tpu.memory_space<semaphore_mem>>
        %dma_start3A_140 = arith.constant 0 : i32
        %dma_start3A_141 = tpu.memref_slice %arg9[%add3A_74, %dma_start3A_140] : memref<320000x128xf32, #tpu.memory_space<hbm>> -> memref<80x128xf32, #tpu.memory_space<hbm>>
        %dma_start3A_142 = arith.constant 0 : i32
        %dma_start3A_143 = tpu.memref_slice %arg9[%add3A_74, %dma_start3A_142] : memref<320000x128xf32, #tpu.memory_space<hbm>> -> memref<80x128xf32, #tpu.memory_space<hbm>>
        tpu.enqueue_dma source(%arg14 : memref<80x128xf32, #tpu.memory_space<vmem>>) target(%dma_start3A_143 : memref<80x128xf32, #tpu.memory_space<hbm>>) target_semaphore(%run_scoped3A : memref<!tpu.dma_semaphore, #tpu.memory_space<semaphore_mem>>)
        %dma_wait3A_144 = arith.constant 0 : i32
        %dma_wait3A_145 = tpu.memref_slice %arg9[%add3A_74, %dma_wait3A_144] : memref<320000x128xf32, #tpu.memory_space<hbm>> -> memref<80x128xf32, #tpu.memory_space<hbm>>
        %dma_wait3A_146 = arith.constant 0 : i32
        %dma_wait3A_147 = tpu.memref_slice %arg9[%add3A_74, %dma_wait3A_146] : memref<320000x128xf32, #tpu.memory_space<hbm>> -> memref<80x128xf32, #tpu.memory_space<hbm>>
        tpu.wait_dma2 semaphore(%run_scoped3A : memref<!tpu.dma_semaphore, #tpu.memory_space<semaphore_mem>>) src(%arg14 : memref<80x128xf32, #tpu.memory_space<vmem>>) dst(%dma_wait3A_147 : memref<80x128xf32, #tpu.memory_space<hbm>>)
        tpu.yield
      }) : () -> ()
      %mul3A_93 = arith.constant 2 : i32
      %mul3A_94 = arith.muli %mul3A_93, %scan3A_47 : i32
      %add3A_95 = arith.constant 2 : i32
      %add3A_96 = arith.addi %mul3A_94, %add3A_95 : i32
      %dma_start3A_97 = arith.constant 0 : i32
      %dma_start3A_98 = tpu.memref_slice %arg10[%add3A_96, %dma_start3A_97] : memref<125x80xi32, #tpu.memory_space<vmem>> -> memref<1x80xi32, #tpu.memory_space<vmem>>
      %dma_start3A_99 = tpu.memref_squeeze %dma_start3A_98 : memref<1x80xi32, #tpu.memory_space<vmem>> -> memref<80xi32, #tpu.memory_space<vmem>>
      %dma_start3A_100 = arith.constant 0 : i32
      %dma_start3A_101 = arith.constant 0 : i32
      %dma_start3A_102 = tpu.memref_slice %arg2[%dma_start3A_100, %dma_start3A_101] : memref<10000x128xf32, #tpu.memory_space<hbm>> -> memref<10000x128xf32, #tpu.memory_space<hbm>>
      tpu.enqueue_indirect_dma source(%dma_start3A_102 : memref<10000x128xf32, #tpu.memory_space<hbm>>) target(%arg12 : memref<80x128xf32, #tpu.memory_space<vmem>>) offsets(%dma_start3A_99 : memref<80xi32, #tpu.memory_space<vmem>>) semaphore(%arg18 : memref<!tpu.dma_semaphore, #tpu.memory_space<semaphore_mem>>)
      %dma_start3A_103 = arith.constant 0 : i32
      %dma_start3A_104 = tpu.memref_slice %arg11[%add3A_96, %dma_start3A_103] : memref<125x80xi32, #tpu.memory_space<vmem>> -> memref<1x80xi32, #tpu.memory_space<vmem>>
      %dma_start3A_105 = tpu.memref_squeeze %dma_start3A_104 : memref<1x80xi32, #tpu.memory_space<vmem>> -> memref<80xi32, #tpu.memory_space<vmem>>
      %dma_start3A_106 = arith.constant 0 : i32
      %dma_start3A_107 = arith.constant 0 : i32
      %dma_start3A_108 = tpu.memref_slice %arg3[%dma_start3A_106, %dma_start3A_107] : memref<10000x128xf32, #tpu.memory_space<hbm>> -> memref<10000x128xf32, #tpu.memory_space<hbm>>
      tpu.enqueue_indirect_dma source(%dma_start3A_108 : memref<10000x128xf32, #tpu.memory_space<hbm>>) target(%arg13 : memref<80x128xf32, #tpu.memory_space<vmem>>) offsets(%dma_start3A_105 : memref<80xi32, #tpu.memory_space<vmem>>) semaphore(%arg18 : memref<!tpu.dma_semaphore, #tpu.memory_space<semaphore_mem>>)
      %dma_start3A_109 = arith.constant 0 : i32
      %dma_start3A_110 = tpu.memref_slice %arg10[%add3A_96, %dma_start3A_109] : memref<125x80xi32, #tpu.memory_space<vmem>> -> memref<1x80xi32, #tpu.memory_space<vmem>>
      %dma_start3A_111 = tpu.memref_squeeze %dma_start3A_110 : memref<1x80xi32, #tpu.memory_space<vmem>> -> memref<80xi32, #tpu.memory_space<vmem>>
      %dma_start3A_112 = arith.constant 0 : i32
      %dma_start3A_113 = arith.constant 0 : i32
      %dma_start3A_114 = tpu.memref_slice %arg4[%dma_start3A_112, %dma_start3A_113] : memref<10000x128xf32, #tpu.memory_space<hbm>> -> memref<10000x128xf32, #tpu.memory_space<hbm>>
      tpu.enqueue_indirect_dma source(%dma_start3A_114 : memref<10000x128xf32, #tpu.memory_space<hbm>>) target(%arg14 : memref<80x128xf32, #tpu.memory_space<vmem>>) offsets(%dma_start3A_111 : memref<80xi32, #tpu.memory_space<vmem>>) semaphore(%arg18 : memref<!tpu.dma_semaphore, #tpu.memory_space<semaphore_mem>>)
      %mul3A_115 = arith.constant 2 : i32
      %mul3A_116 = arith.muli %mul3A_115, %scan3A_47 : i32
      %add3A_117 = arith.constant 1 : i32
      %add3A_118 = arith.addi %mul3A_116, %add3A_117 : i32
      %mul3A_119 = arith.constant 80 : i32
      %mul3A_120 = arith.muli %add3A_118, %mul3A_119 : i32
      %add3A_121 = arith.addi %mul3A_2, %mul3A_120 : i32
      %dma_wait3A_122 = arith.constant 0 : i32
      %dma_wait3A_123 = arith.constant 0 : i32
      %dma_wait3A_124 = tpu.memref_slice %arg2[%dma_wait3A_122, %dma_wait3A_123] : memref<10000x128xf32, #tpu.memory_space<hbm>> -> memref<80x128xf32, #tpu.memory_space<hbm>>
      %dma_wait3A_125 = arith.constant 0 : i32
      %dma_wait3A_126 = arith.constant 0 : i32
      %dma_wait3A_127 = tpu.memref_slice %arg2[%dma_wait3A_125, %dma_wait3A_126] : memref<10000x128xf32, #tpu.memory_space<hbm>> -> memref<80x128xf32, #tpu.memory_space<hbm>>
      tpu.wait_dma2 semaphore(%arg19 : memref<!tpu.dma_semaphore, #tpu.memory_space<semaphore_mem>>) src(%dma_wait3A_127 : memref<80x128xf32, #tpu.memory_space<hbm>>) dst(%arg15 : memref<80x128xf32, #tpu.memory_space<vmem>>)
      %dma_wait3A_128 = arith.constant 0 : i32
      %dma_wait3A_129 = arith.constant 0 : i32
      %dma_wait3A_130 = tpu.memref_slice %arg3[%dma_wait3A_128, %dma_wait3A_129] : memref<10000x128xf32, #tpu.memory_space<hbm>> -> memref<80x128xf32, #tpu.memory_space<hbm>>
      %dma_wait3A_131 = arith.constant 0 : i32
      %dma_wait3A_132 = arith.constant 0 : i32
      %dma_wait3A_133 = tpu.memref_slice %arg3[%dma_wait3A_131, %dma_wait3A_132] : memref<10000x128xf32, #tpu.memory_space<hbm>> -> memref<80x128xf32, #tpu.memory_space<hbm>>
      tpu.wait_dma2 semaphore(%arg19 : memref<!tpu.dma_semaphore, #tpu.memory_space<semaphore_mem>>) src(%dma_wait3A_133 : memref<80x128xf32, #tpu.memory_space<hbm>>) dst(%arg16 : memref<80x128xf32, #tpu.memory_space<vmem>>)
      %dma_wait3A_134 = arith.constant 0 : i32
      %dma_wait3A_135 = arith.constant 0 : i32
      %dma_wait3A_136 = tpu.memref_slice %arg4[%dma_wait3A_134, %dma_wait3A_135] : memref<10000x128xf32, #tpu.memory_space<hbm>> -> memref<80x128xf32, #tpu.memory_space<hbm>>
      %dma_wait3A_137 = arith.constant 0 : i32
      %dma_wait3A_138 = arith.constant 0 : i32
      %dma_wait3A_139 = tpu.memref_slice %arg4[%dma_wait3A_137, %dma_wait3A_138] : memref<10000x128xf32, #tpu.memory_space<hbm>> -> memref<80x128xf32, #tpu.memory_space<hbm>>
      tpu.wait_dma2 semaphore(%arg19 : memref<!tpu.dma_semaphore, #tpu.memory_space<semaphore_mem>>) src(%dma_wait3A_139 : memref<80x128xf32, #tpu.memory_space<hbm>>) dst(%arg17 : memref<80x128xf32, #tpu.memory_space<vmem>>)
      "tpu.region"() ({
        %run_scoped3A = tpu.sem_alloc : memref<!tpu.dma_semaphore, #tpu.memory_space<semaphore_mem>>
        %dma_start3A_140 = arith.constant 0 : i32
        %dma_start3A_141 = tpu.memref_slice %arg7[%add3A_121, %dma_start3A_140] : memref<320000x128xf32, #tpu.memory_space<hbm>> -> memref<80x128xf32, #tpu.memory_space<hbm>>
        %dma_start3A_142 = arith.constant 0 : i32
        %dma_start3A_143 = tpu.memref_slice %arg7[%add3A_121, %dma_start3A_142] : memref<320000x128xf32, #tpu.memory_space<hbm>> -> memref<80x128xf32, #tpu.memory_space<hbm>>
        tpu.enqueue_dma source(%arg15 : memref<80x128xf32, #tpu.memory_space<vmem>>) target(%dma_start3A_143 : memref<80x128xf32, #tpu.memory_space<hbm>>) target_semaphore(%run_scoped3A : memref<!tpu.dma_semaphore, #tpu.memory_space<semaphore_mem>>)
        %dma_wait3A_144 = arith.constant 0 : i32
        %dma_wait3A_145 = tpu.memref_slice %arg7[%add3A_121, %dma_wait3A_144] : memref<320000x128xf32, #tpu.memory_space<hbm>> -> memref<80x128xf32, #tpu.memory_space<hbm>>
        %dma_wait3A_146 = arith.constant 0 : i32
        %dma_wait3A_147 = tpu.memref_slice %arg7[%add3A_121, %dma_wait3A_146] : memref<320000x128xf32, #tpu.memory_space<hbm>> -> memref<80x128xf32, #tpu.memory_space<hbm>>
        tpu.wait_dma2 semaphore(%run_scoped3A : memref<!tpu.dma_semaphore, #tpu.memory_space<semaphore_mem>>) src(%arg15 : memref<80x128xf32, #tpu.memory_space<vmem>>) dst(%dma_wait3A_147 : memref<80x128xf32, #tpu.memory_space<hbm>>)
        tpu.yield
      }) : () -> ()
      "tpu.region"() ({
        %run_scoped3A = tpu.sem_alloc : memref<!tpu.dma_semaphore, #tpu.memory_space<semaphore_mem>>
        %dma_start3A_140 = arith.constant 0 : i32
        %dma_start3A_141 = tpu.memref_slice %arg8[%add3A_121, %dma_start3A_140] : memref<320000x128xf32, #tpu.memory_space<hbm>> -> memref<80x128xf32, #tpu.memory_space<hbm>>
        %dma_start3A_142 = arith.constant 0 : i32
        %dma_start3A_143 = tpu.memref_slice %arg8[%add3A_121, %dma_start3A_142] : memref<320000x128xf32, #tpu.memory_space<hbm>> -> memref<80x128xf32, #tpu.memory_space<hbm>>
        tpu.enqueue_dma source(%arg16 : memref<80x128xf32, #tpu.memory_space<vmem>>) target(%dma_start3A_143 : memref<80x128xf32, #tpu.memory_space<hbm>>) target_semaphore(%run_scoped3A : memref<!tpu.dma_semaphore, #tpu.memory_space<semaphore_mem>>)
        %dma_wait3A_144 = arith.constant 0 : i32
        %dma_wait3A_145 = tpu.memref_slice %arg8[%add3A_121, %dma_wait3A_144] : memref<320000x128xf32, #tpu.memory_space<hbm>> -> memref<80x128xf32, #tpu.memory_space<hbm>>
        %dma_wait3A_146 = arith.constant 0 : i32
        %dma_wait3A_147 = tpu.memref_slice %arg8[%add3A_121, %dma_wait3A_146] : memref<320000x128xf32, #tpu.memory_space<hbm>> -> memref<80x128xf32, #tpu.memory_space<hbm>>
        tpu.wait_dma2 semaphore(%run_scoped3A : memref<!tpu.dma_semaphore, #tpu.memory_space<semaphore_mem>>) src(%arg16 : memref<80x128xf32, #tpu.memory_space<vmem>>) dst(%dma_wait3A_147 : memref<80x128xf32, #tpu.memory_space<hbm>>)
        tpu.yield
      }) : () -> ()
      "tpu.region"() ({
        %run_scoped3A = tpu.sem_alloc : memref<!tpu.dma_semaphore, #tpu.memory_space<semaphore_mem>>
        %dma_start3A_140 = arith.constant 0 : i32
        %dma_start3A_141 = tpu.memref_slice %arg9[%add3A_121, %dma_start3A_140] : memref<320000x128xf32, #tpu.memory_space<hbm>> -> memref<80x128xf32, #tpu.memory_space<hbm>>
        %dma_start3A_142 = arith.constant 0 : i32
        %dma_start3A_143 = tpu.memref_slice %arg9[%add3A_121, %dma_start3A_142] : memref<320000x128xf32, #tpu.memory_space<hbm>> -> memref<80x128xf32, #tpu.memory_space<hbm>>
        tpu.enqueue_dma source(%arg17 : memref<80x128xf32, #tpu.memory_space<vmem>>) target(%dma_start3A_143 : memref<80x128xf32, #tpu.memory_space<hbm>>) target_semaphore(%run_scoped3A : memref<!tpu.dma_semaphore, #tpu.memory_space<semaphore_mem>>)
        %dma_wait3A_144 = arith.constant 0 : i32
        %dma_wait3A_145 = tpu.memref_slice %arg9[%add3A_121, %dma_wait3A_144] : memref<320000x128xf32, #tpu.memory_space<hbm>> -> memref<80x128xf32, #tpu.memory_space<hbm>>
        %dma_wait3A_146 = arith.constant 0 : i32
        %dma_wait3A_147 = tpu.memref_slice %arg9[%add3A_121, %dma_wait3A_146] : memref<320000x128xf32, #tpu.memory_space<hbm>> -> memref<80x128xf32, #tpu.memory_space<hbm>>
        tpu.wait_dma2 semaphore(%run_scoped3A : memref<!tpu.dma_semaphore, #tpu.memory_space<semaphore_mem>>) src(%arg17 : memref<80x128xf32, #tpu.memory_space<vmem>>) dst(%dma_wait3A_147 : memref<80x128xf32, #tpu.memory_space<hbm>>)
        tpu.yield
      }) : () -> ()
    }
    %scan3A_27 = arith.constant 62 : i32
    %add3A_28 = arith.constant 9920 : i32
    %add3A_29 = arith.addi %mul3A_2, %add3A_28 : i32
    %dma_wait3A = arith.constant 0 : i32
    %dma_wait3A_30 = arith.constant 0 : i32
    %dma_wait3A_31 = tpu.memref_slice %arg2[%dma_wait3A, %dma_wait3A_30] : memref<10000x128xf32, #tpu.memory_space<hbm>> -> memref<80x128xf32, #tpu.memory_space<hbm>>
    %dma_wait3A_32 = arith.constant 0 : i32
    %dma_wait3A_33 = arith.constant 0 : i32
    %dma_wait3A_34 = tpu.memref_slice %arg2[%dma_wait3A_32, %dma_wait3A_33] : memref<10000x128xf32, #tpu.memory_space<hbm>> -> memref<80x128xf32, #tpu.memory_space<hbm>>
    tpu.wait_dma2 semaphore(%arg18 : memref<!tpu.dma_semaphore, #tpu.memory_space<semaphore_mem>>) src(%dma_wait3A_34 : memref<80x128xf32, #tpu.memory_space<hbm>>) dst(%arg12 : memref<80x128xf32, #tpu.memory_space<vmem>>)
    %dma_wait3A_35 = arith.constant 0 : i32
    %dma_wait3A_36 = arith.constant 0 : i32
    %dma_wait3A_37 = tpu.memref_slice %arg3[%dma_wait3A_35, %dma_wait3A_36] : memref<10000x128xf32, #tpu.memory_space<hbm>> -> memref<80x128xf32, #tpu.memory_space<hbm>>
    %dma_wait3A_38 = arith.constant 0 : i32
    %dma_wait3A_39 = arith.constant 0 : i32
    %dma_wait3A_40 = tpu.memref_slice %arg3[%dma_wait3A_38, %dma_wait3A_39] : memref<10000x128xf32, #tpu.memory_space<hbm>> -> memref<80x128xf32, #tpu.memory_space<hbm>>
    tpu.wait_dma2 semaphore(%arg18 : memref<!tpu.dma_semaphore, #tpu.memory_space<semaphore_mem>>) src(%dma_wait3A_40 : memref<80x128xf32, #tpu.memory_space<hbm>>) dst(%arg13 : memref<80x128xf32, #tpu.memory_space<vmem>>)
    %dma_wait3A_41 = arith.constant 0 : i32
    %dma_wait3A_42 = arith.constant 0 : i32
    %dma_wait3A_43 = tpu.memref_slice %arg4[%dma_wait3A_41, %dma_wait3A_42] : memref<10000x128xf32, #tpu.memory_space<hbm>> -> memref<80x128xf32, #tpu.memory_space<hbm>>
    %dma_wait3A_44 = arith.constant 0 : i32
    %dma_wait3A_45 = arith.constant 0 : i32
    %dma_wait3A_46 = tpu.memref_slice %arg4[%dma_wait3A_44, %dma_wait3A_45] : memref<10000x128xf32, #tpu.memory_space<hbm>> -> memref<80x128xf32, #tpu.memory_space<hbm>>
    tpu.wait_dma2 semaphore(%arg18 : memref<!tpu.dma_semaphore, #tpu.memory_space<semaphore_mem>>) src(%dma_wait3A_46 : memref<80x128xf32, #tpu.memory_space<hbm>>) dst(%arg14 : memref<80x128xf32, #tpu.memory_space<vmem>>)
    "tpu.region"() ({
      %run_scoped3A = tpu.sem_alloc : memref<!tpu.dma_semaphore, #tpu.memory_space<semaphore_mem>>
      %dma_start3A_47 = arith.constant 0 : i32
      %dma_start3A_48 = tpu.memref_slice %arg7[%add3A_29, %dma_start3A_47] : memref<320000x128xf32, #tpu.memory_space<hbm>> -> memref<80x128xf32, #tpu.memory_space<hbm>>
      %dma_start3A_49 = arith.constant 0 : i32
      %dma_start3A_50 = tpu.memref_slice %arg7[%add3A_29, %dma_start3A_49] : memref<320000x128xf32, #tpu.memory_space<hbm>> -> memref<80x128xf32, #tpu.memory_space<hbm>>
      tpu.enqueue_dma source(%arg12 : memref<80x128xf32, #tpu.memory_space<vmem>>) target(%dma_start3A_50 : memref<80x128xf32, #tpu.memory_space<hbm>>) target_semaphore(%run_scoped3A : memref<!tpu.dma_semaphore, #tpu.memory_space<semaphore_mem>>)
      %dma_wait3A_51 = arith.constant 0 : i32
      %dma_wait3A_52 = tpu.memref_slice %arg7[%add3A_29, %dma_wait3A_51] : memref<320000x128xf32, #tpu.memory_space<hbm>> -> memref<80x128xf32, #tpu.memory_space<hbm>>
      %dma_wait3A_53 = arith.constant 0 : i32
      %dma_wait3A_54 = tpu.memref_slice %arg7[%add3A_29, %dma_wait3A_53] : memref<320000x128xf32, #tpu.memory_space<hbm>> -> memref<80x128xf32, #tpu.memory_space<hbm>>
      tpu.wait_dma2 semaphore(%run_scoped3A : memref<!tpu.dma_semaphore, #tpu.memory_space<semaphore_mem>>) src(%arg12 : memref<80x128xf32, #tpu.memory_space<vmem>>) dst(%dma_wait3A_54 : memref<80x128xf32, #tpu.memory_space<hbm>>)
      tpu.yield
    }) : () -> ()
    "tpu.region"() ({
      %run_scoped3A = tpu.sem_alloc : memref<!tpu.dma_semaphore, #tpu.memory_space<semaphore_mem>>
      %dma_start3A_47 = arith.constant 0 : i32
      %dma_start3A_48 = tpu.memref_slice %arg8[%add3A_29, %dma_start3A_47] : memref<320000x128xf32, #tpu.memory_space<hbm>> -> memref<80x128xf32, #tpu.memory_space<hbm>>
      %dma_start3A_49 = arith.constant 0 : i32
      %dma_start3A_50 = tpu.memref_slice %arg8[%add3A_29, %dma_start3A_49] : memref<320000x128xf32, #tpu.memory_space<hbm>> -> memref<80x128xf32, #tpu.memory_space<hbm>>
      tpu.enqueue_dma source(%arg13 : memref<80x128xf32, #tpu.memory_space<vmem>>) target(%dma_start3A_50 : memref<80x128xf32, #tpu.memory_space<hbm>>) target_semaphore(%run_scoped3A : memref<!tpu.dma_semaphore, #tpu.memory_space<semaphore_mem>>)
      %dma_wait3A_51 = arith.constant 0 : i32
      %dma_wait3A_52 = tpu.memref_slice %arg8[%add3A_29, %dma_wait3A_51] : memref<320000x128xf32, #tpu.memory_space<hbm>> -> memref<80x128xf32, #tpu.memory_space<hbm>>
      %dma_wait3A_53 = arith.constant 0 : i32
      %dma_wait3A_54 = tpu.memref_slice %arg8[%add3A_29, %dma_wait3A_53] : memref<320000x128xf32, #tpu.memory_space<hbm>> -> memref<80x128xf32, #tpu.memory_space<hbm>>
      tpu.wait_dma2 semaphore(%run_scoped3A : memref<!tpu.dma_semaphore, #tpu.memory_space<semaphore_mem>>) src(%arg13 : memref<80x128xf32, #tpu.memory_space<vmem>>) dst(%dma_wait3A_54 : memref<80x128xf32, #tpu.memory_space<hbm>>)
      tpu.yield
    }) : () -> ()
    "tpu.region"() ({
      %run_scoped3A = tpu.sem_alloc : memref<!tpu.dma_semaphore, #tpu.memory_space<semaphore_mem>>
      %dma_start3A_47 = arith.constant 0 : i32
      %dma_start3A_48 = tpu.memref_slice %arg9[%add3A_29, %dma_start3A_47] : memref<320000x128xf32, #tpu.memory_space<hbm>> -> memref<80x128xf32, #tpu.memory_space<hbm>>
      %dma_start3A_49 = arith.constant 0 : i32
      %dma_start3A_50 = tpu.memref_slice %arg9[%add3A_29, %dma_start3A_49] : memref<320000x128xf32, #tpu.memory_space<hbm>> -> memref<80x128xf32, #tpu.memory_space<hbm>>
      tpu.enqueue_dma source(%arg14 : memref<80x128xf32, #tpu.memory_space<vmem>>) target(%dma_start3A_50 : memref<80x128xf32, #tpu.memory_space<hbm>>) target_semaphore(%run_scoped3A : memref<!tpu.dma_semaphore, #tpu.memory_space<semaphore_mem>>)
      %dma_wait3A_51 = arith.constant 0 : i32
      %dma_wait3A_52 = tpu.memref_slice %arg9[%add3A_29, %dma_wait3A_51] : memref<320000x128xf32, #tpu.memory_space<hbm>> -> memref<80x128xf32, #tpu.memory_space<hbm>>
      %dma_wait3A_53 = arith.constant 0 : i32
      %dma_wait3A_54 = tpu.memref_slice %arg9[%add3A_29, %dma_wait3A_53] : memref<320000x128xf32, #tpu.memory_space<hbm>> -> memref<80x128xf32, #tpu.memory_space<hbm>>
      tpu.wait_dma2 semaphore(%run_scoped3A : memref<!tpu.dma_semaphore, #tpu.memory_space<semaphore_mem>>) src(%arg14 : memref<80x128xf32, #tpu.memory_space<vmem>>) dst(%dma_wait3A_54 : memref<80x128xf32, #tpu.memory_space<hbm>>)
      tpu.yield
    }) : () -> ()
    return
  }
}

#map = affine_map<(d0, d1) -> (0, 0)>
#map1 = affine_map<(d0, d1) -> (0, 0, 0)>
module attributes {stable_mosaic.version = 14 : i64} {
  func.func @_scatter_body(%arg0: i32, %arg1: i32, %arg2: memref<320000x128xf32, #tpu.memory_space<hbm>>, %arg3: memref<320000x128xf32, #tpu.memory_space<hbm>>, %arg4: memref<32x125x80xi32, #tpu.memory_space<hbm>>, %arg5: memref<80x128xf32, #tpu.memory_space<hbm>>, %arg6: memref<2x10240x128xf32, #tpu.memory_space<hbm>>, %arg7: memref<2x10240x128xf32, #tpu.memory_space<hbm>>, %arg8: memref<125x80xi32, #tpu.memory_space<vmem>>, %arg9: memref<80x128xf32, #tpu.memory_space<vmem>>, %arg10: memref<80x128xf32, #tpu.memory_space<vmem>>, %arg11: memref<10240x128xf32, #tpu.memory_space<vmem_shared>>, %arg12: memref<!tpu.dma_semaphore, #tpu.memory_space<semaphore_mem>>, %arg13: memref<!tpu.dma_semaphore, #tpu.memory_space<semaphore_mem>>) attributes {dimension_semantics = [#tpu.dimension_semantics<core_parallel>, #tpu.dimension_semantics<subcore_parallel>], iteration_bounds = array<i64: 2, 16>, scalar_prefetch = 0 : i64, scratch_operands = 6 : i64, tpu.core_type = #tpu.core_type<sc_vector_subcore>, window_params = [{transform_indices = #map}, {transform_indices = #map}, {transform_indices = #map1}, {transform_indices = #map}, {transform_indices = #map1}, {transform_indices = #map1}]} {
    %mul3A = arith.constant 2 : i32
    %mul3A_0 = arith.muli %arg1, %mul3A : i32
    %add3A = arith.addi %mul3A_0, %arg0 : i32
    %mul3A_1 = arith.constant 10000 : i32
    %mul3A_2 = arith.muli %add3A, %mul3A_1 : i32
    %mul3A_3 = arith.constant 640 : i32
    %mul3A_4 = arith.muli %arg1, %mul3A_3 : i32
    "tpu.region"() ({
      %run_scoped3A_67 = tpu.sem_alloc : memref<!tpu.dma_semaphore, #tpu.memory_space<semaphore_mem>>
      %dma_start3A_68 = arith.constant 0 : i32
      %dma_start3A_69 = arith.constant 0 : i32
      %dma_start3A_70 = tpu.memref_slice %arg4[%add3A, %dma_start3A_68, %dma_start3A_69] : memref<32x125x80xi32, #tpu.memory_space<hbm>> -> memref<1x125x80xi32, #tpu.memory_space<hbm>>
      %dma_start3A_71 = tpu.memref_squeeze %dma_start3A_70 : memref<1x125x80xi32, #tpu.memory_space<hbm>> -> memref<125x80xi32, #tpu.memory_space<hbm>>
      %dma_start3A_72 = arith.constant 0 : i32
      %dma_start3A_73 = arith.constant 0 : i32
      %dma_start3A_74 = tpu.memref_slice %arg4[%add3A, %dma_start3A_72, %dma_start3A_73] : memref<32x125x80xi32, #tpu.memory_space<hbm>> -> memref<1x125x80xi32, #tpu.memory_space<hbm>>
      %dma_start3A_75 = tpu.memref_squeeze %dma_start3A_74 : memref<1x125x80xi32, #tpu.memory_space<hbm>> -> memref<125x80xi32, #tpu.memory_space<hbm>>
      tpu.enqueue_dma source(%dma_start3A_75 : memref<125x80xi32, #tpu.memory_space<hbm>>) target(%arg8 : memref<125x80xi32, #tpu.memory_space<vmem>>) target_semaphore(%run_scoped3A_67 : memref<!tpu.dma_semaphore, #tpu.memory_space<semaphore_mem>>)
      %dma_wait3A_76 = arith.constant 0 : i32
      %dma_wait3A_77 = arith.constant 0 : i32
      %dma_wait3A_78 = tpu.memref_slice %arg4[%add3A, %dma_wait3A_76, %dma_wait3A_77] : memref<32x125x80xi32, #tpu.memory_space<hbm>> -> memref<1x125x80xi32, #tpu.memory_space<hbm>>
      %dma_wait3A_79 = tpu.memref_squeeze %dma_wait3A_78 : memref<1x125x80xi32, #tpu.memory_space<hbm>> -> memref<125x80xi32, #tpu.memory_space<hbm>>
      %dma_wait3A_80 = arith.constant 0 : i32
      %dma_wait3A_81 = arith.constant 0 : i32
      %dma_wait3A_82 = tpu.memref_slice %arg4[%add3A, %dma_wait3A_80, %dma_wait3A_81] : memref<32x125x80xi32, #tpu.memory_space<hbm>> -> memref<1x125x80xi32, #tpu.memory_space<hbm>>
      %dma_wait3A_83 = tpu.memref_squeeze %dma_wait3A_82 : memref<1x125x80xi32, #tpu.memory_space<hbm>> -> memref<125x80xi32, #tpu.memory_space<hbm>>
      tpu.wait_dma2 semaphore(%run_scoped3A_67 : memref<!tpu.dma_semaphore, #tpu.memory_space<semaphore_mem>>) src(%dma_wait3A_83 : memref<125x80xi32, #tpu.memory_space<hbm>>) dst(%arg8 : memref<125x80xi32, #tpu.memory_space<vmem>>)
      tpu.yield
    }) : () -> ()
    "tpu.region"() ({
      %run_scoped3A_67 = tpu.sem_alloc : memref<!tpu.dma_semaphore, #tpu.memory_space<semaphore_mem>>
      tpu.enqueue_dma source(%arg5 : memref<80x128xf32, #tpu.memory_space<hbm>>) target(%arg9 : memref<80x128xf32, #tpu.memory_space<vmem>>) target_semaphore(%run_scoped3A_67 : memref<!tpu.dma_semaphore, #tpu.memory_space<semaphore_mem>>)
      tpu.wait_dma2 semaphore(%run_scoped3A_67 : memref<!tpu.dma_semaphore, #tpu.memory_space<semaphore_mem>>) src(%arg5 : memref<80x128xf32, #tpu.memory_space<hbm>>) dst(%arg9 : memref<80x128xf32, #tpu.memory_space<vmem>>)
      tpu.yield
    }) : () -> ()
    %scan3A = arith.constant 0 : i32
    %scan3A_5 = arith.constant 0 : i32
    %scan3A_6 = arith.constant 8 : i32
    %scan3A_7 = arith.addi %scan3A_5, %scan3A_6 : i32
    %scan3A_8 = arith.constant 1 : i32
    scf.for %scan3A_67 = %scan3A_5 to %scan3A_7 step %scan3A_8  : i32 {
      %mul3A_68 = arith.constant 80 : i32
      %mul3A_69 = arith.muli %scan3A_67, %mul3A_68 : i32
      %add3A_70 = arith.addi %mul3A_4, %mul3A_69 : i32
      "tpu.region"() ({
        %run_scoped3A_71 = tpu.sem_alloc : memref<!tpu.dma_semaphore, #tpu.memory_space<semaphore_mem>>
        %dma_start3A_72 = arith.constant 0 : i32
        %dma_start3A_73 = tpu.memref_slice %arg11[%add3A_70, %dma_start3A_72] : memref<10240x128xf32, #tpu.memory_space<vmem_shared>> -> memref<80x128xf32, #tpu.memory_space<vmem_shared>>
        %dma_start3A_74 = arith.constant 0 : i32
        %dma_start3A_75 = tpu.memref_slice %arg11[%add3A_70, %dma_start3A_74] : memref<10240x128xf32, #tpu.memory_space<vmem_shared>> -> memref<80x128xf32, #tpu.memory_space<vmem_shared>>
        tpu.enqueue_dma source(%arg9 : memref<80x128xf32, #tpu.memory_space<vmem>>) target(%dma_start3A_75 : memref<80x128xf32, #tpu.memory_space<vmem_shared>>) target_semaphore(%run_scoped3A_71 : memref<!tpu.dma_semaphore, #tpu.memory_space<semaphore_mem>>)
        %dma_wait3A_76 = arith.constant 0 : i32
        %dma_wait3A_77 = tpu.memref_slice %arg11[%add3A_70, %dma_wait3A_76] : memref<10240x128xf32, #tpu.memory_space<vmem_shared>> -> memref<80x128xf32, #tpu.memory_space<vmem_shared>>
        %dma_wait3A_78 = arith.constant 0 : i32
        %dma_wait3A_79 = tpu.memref_slice %arg11[%add3A_70, %dma_wait3A_78] : memref<10240x128xf32, #tpu.memory_space<vmem_shared>> -> memref<80x128xf32, #tpu.memory_space<vmem_shared>>
        tpu.wait_dma2 semaphore(%run_scoped3A_71 : memref<!tpu.dma_semaphore, #tpu.memory_space<semaphore_mem>>) src(%arg9 : memref<80x128xf32, #tpu.memory_space<vmem>>) dst(%dma_wait3A_79 : memref<80x128xf32, #tpu.memory_space<vmem_shared>>)
        tpu.yield
      }) : () -> ()
    }
    %scan3A_9 = arith.constant 8 : i32
    %barrier3A = arith.constant 0 : index
    tpu.barrier barrier_id(%barrier3A)
    %add3A_10 = arith.constant 0 : i32
    %add3A_11 = arith.addi %mul3A_2, %add3A_10 : i32
    %dma_start3A = arith.constant 0 : i32
    %dma_start3A_12 = tpu.memref_slice %arg2[%add3A_11, %dma_start3A] : memref<320000x128xf32, #tpu.memory_space<hbm>> -> memref<80x128xf32, #tpu.memory_space<hbm>>
    %dma_start3A_13 = arith.constant 0 : i32
    %dma_start3A_14 = tpu.memref_slice %arg2[%add3A_11, %dma_start3A_13] : memref<320000x128xf32, #tpu.memory_space<hbm>> -> memref<80x128xf32, #tpu.memory_space<hbm>>
    tpu.enqueue_dma source(%dma_start3A_14 : memref<80x128xf32, #tpu.memory_space<hbm>>) target(%arg9 : memref<80x128xf32, #tpu.memory_space<vmem>>) target_semaphore(%arg12 : memref<!tpu.dma_semaphore, #tpu.memory_space<semaphore_mem>>)
    %scan3A_15 = arith.constant 0 : i32
    %scan3A_16 = arith.constant 0 : i32
    %scan3A_17 = arith.constant 62 : i32
    %scan3A_18 = arith.addi %scan3A_16, %scan3A_17 : i32
    %scan3A_19 = arith.constant 1 : i32
    scf.for %scan3A_67 = %scan3A_16 to %scan3A_18 step %scan3A_19  : i32 {
      %mul3A_68 = arith.constant 2 : i32
      %mul3A_69 = arith.muli %mul3A_68, %scan3A_67 : i32
      %add3A_70 = arith.constant 1 : i32
      %add3A_71 = arith.addi %mul3A_69, %add3A_70 : i32
      %mul3A_72 = arith.constant 80 : i32
      %mul3A_73 = arith.muli %add3A_71, %mul3A_72 : i32
      %add3A_74 = arith.addi %mul3A_2, %mul3A_73 : i32
      %dma_start3A_75 = arith.constant 0 : i32
      %dma_start3A_76 = tpu.memref_slice %arg2[%add3A_74, %dma_start3A_75] : memref<320000x128xf32, #tpu.memory_space<hbm>> -> memref<80x128xf32, #tpu.memory_space<hbm>>
      %dma_start3A_77 = arith.constant 0 : i32
      %dma_start3A_78 = tpu.memref_slice %arg2[%add3A_74, %dma_start3A_77] : memref<320000x128xf32, #tpu.memory_space<hbm>> -> memref<80x128xf32, #tpu.memory_space<hbm>>
      tpu.enqueue_dma source(%dma_start3A_78 : memref<80x128xf32, #tpu.memory_space<hbm>>) target(%arg10 : memref<80x128xf32, #tpu.memory_space<vmem>>) target_semaphore(%arg13 : memref<!tpu.dma_semaphore, #tpu.memory_space<semaphore_mem>>)
      %mul3A_79 = arith.constant 2 : i32
      %mul3A_80 = arith.muli %mul3A_79, %scan3A_67 : i32
      %dma_wait3A_81 = arith.constant 0 : i32
      %dma_wait3A_82 = arith.constant 0 : i32
      %dma_wait3A_83 = tpu.memref_slice %arg2[%dma_wait3A_81, %dma_wait3A_82] : memref<320000x128xf32, #tpu.memory_space<hbm>> -> memref<80x128xf32, #tpu.memory_space<hbm>>
      %dma_wait3A_84 = arith.constant 0 : i32
      %dma_wait3A_85 = arith.constant 0 : i32
      %dma_wait3A_86 = tpu.memref_slice %arg2[%dma_wait3A_84, %dma_wait3A_85] : memref<320000x128xf32, #tpu.memory_space<hbm>> -> memref<80x128xf32, #tpu.memory_space<hbm>>
      tpu.wait_dma2 semaphore(%arg12 : memref<!tpu.dma_semaphore, #tpu.memory_space<semaphore_mem>>) src(%dma_wait3A_86 : memref<80x128xf32, #tpu.memory_space<hbm>>) dst(%arg9 : memref<80x128xf32, #tpu.memory_space<vmem>>)
      "tpu.region"() ({
        %run_scoped3A_108 = tpu.sem_alloc : memref<!tpu.dma_semaphore, #tpu.memory_space<semaphore_mem>>
        %dma_start3A_109 = arith.constant 0 : i32
        %dma_start3A_110 = tpu.memref_slice %arg8[%mul3A_80, %dma_start3A_109] : memref<125x80xi32, #tpu.memory_space<vmem>> -> memref<1x80xi32, #tpu.memory_space<vmem>>
        %dma_start3A_111 = tpu.memref_squeeze %dma_start3A_110 : memref<1x80xi32, #tpu.memory_space<vmem>> -> memref<80xi32, #tpu.memory_space<vmem>>
        %dma_start3A_112 = arith.constant 0 : i32
        %dma_start3A_113 = arith.constant 0 : i32
        %dma_start3A_114 = tpu.memref_slice %arg11[%dma_start3A_112, %dma_start3A_113] : memref<10240x128xf32, #tpu.memory_space<vmem_shared>> -> memref<10240x128xf32, #tpu.memory_space<vmem_shared>>
        tpu.enqueue_indirect_dma source(%arg9 : memref<80x128xf32, #tpu.memory_space<vmem>>) target(%dma_start3A_114 : memref<10240x128xf32, #tpu.memory_space<vmem_shared>>) offsets(%dma_start3A_111 : memref<80xi32, #tpu.memory_space<vmem>>) semaphore(%run_scoped3A_108 : memref<!tpu.dma_semaphore, #tpu.memory_space<semaphore_mem>>) {add = true}
        %dma_wait3A_115 = arith.constant 0 : i32
        %dma_wait3A_116 = tpu.memref_slice %arg8[%mul3A_80, %dma_wait3A_115] : memref<125x80xi32, #tpu.memory_space<vmem>> -> memref<1x80xi32, #tpu.memory_space<vmem>>
        %dma_wait3A_117 = tpu.memref_squeeze %dma_wait3A_116 : memref<1x80xi32, #tpu.memory_space<vmem>> -> memref<80xi32, #tpu.memory_space<vmem>>
        %dma_wait3A_118 = arith.constant 0 : i32
        %dma_wait3A_119 = arith.constant 0 : i32
        %dma_wait3A_120 = tpu.memref_slice %arg11[%dma_wait3A_118, %dma_wait3A_119] : memref<10240x128xf32, #tpu.memory_space<vmem_shared>> -> memref<10240x128xf32, #tpu.memory_space<vmem_shared>>
        tpu.wait_indirect_dma semaphore(%run_scoped3A_108 : memref<!tpu.dma_semaphore, #tpu.memory_space<semaphore_mem>>) src(%arg9 : memref<80x128xf32, #tpu.memory_space<vmem>>) dst(%dma_wait3A_120 : memref<10240x128xf32, #tpu.memory_space<vmem_shared>>)
        tpu.yield
      }) : () -> ()
      %mul3A_87 = arith.constant 2 : i32
      %mul3A_88 = arith.muli %mul3A_87, %scan3A_67 : i32
      %add3A_89 = arith.constant 2 : i32
      %add3A_90 = arith.addi %mul3A_88, %add3A_89 : i32
      %mul3A_91 = arith.constant 80 : i32
      %mul3A_92 = arith.muli %add3A_90, %mul3A_91 : i32
      %add3A_93 = arith.addi %mul3A_2, %mul3A_92 : i32
      %dma_start3A_94 = arith.constant 0 : i32
      %dma_start3A_95 = tpu.memref_slice %arg2[%add3A_93, %dma_start3A_94] : memref<320000x128xf32, #tpu.memory_space<hbm>> -> memref<80x128xf32, #tpu.memory_space<hbm>>
      %dma_start3A_96 = arith.constant 0 : i32
      %dma_start3A_97 = tpu.memref_slice %arg2[%add3A_93, %dma_start3A_96] : memref<320000x128xf32, #tpu.memory_space<hbm>> -> memref<80x128xf32, #tpu.memory_space<hbm>>
      tpu.enqueue_dma source(%dma_start3A_97 : memref<80x128xf32, #tpu.memory_space<hbm>>) target(%arg9 : memref<80x128xf32, #tpu.memory_space<vmem>>) target_semaphore(%arg12 : memref<!tpu.dma_semaphore, #tpu.memory_space<semaphore_mem>>)
      %mul3A_98 = arith.constant 2 : i32
      %mul3A_99 = arith.muli %mul3A_98, %scan3A_67 : i32
      %add3A_100 = arith.constant 1 : i32
      %add3A_101 = arith.addi %mul3A_99, %add3A_100 : i32
      %dma_wait3A_102 = arith.constant 0 : i32
      %dma_wait3A_103 = arith.constant 0 : i32
      %dma_wait3A_104 = tpu.memref_slice %arg2[%dma_wait3A_102, %dma_wait3A_103] : memref<320000x128xf32, #tpu.memory_space<hbm>> -> memref<80x128xf32, #tpu.memory_space<hbm>>
      %dma_wait3A_105 = arith.constant 0 : i32
      %dma_wait3A_106 = arith.constant 0 : i32
      %dma_wait3A_107 = tpu.memref_slice %arg2[%dma_wait3A_105, %dma_wait3A_106] : memref<320000x128xf32, #tpu.memory_space<hbm>> -> memref<80x128xf32, #tpu.memory_space<hbm>>
      tpu.wait_dma2 semaphore(%arg13 : memref<!tpu.dma_semaphore, #tpu.memory_space<semaphore_mem>>) src(%dma_wait3A_107 : memref<80x128xf32, #tpu.memory_space<hbm>>) dst(%arg10 : memref<80x128xf32, #tpu.memory_space<vmem>>)
      "tpu.region"() ({
        %run_scoped3A_108 = tpu.sem_alloc : memref<!tpu.dma_semaphore, #tpu.memory_space<semaphore_mem>>
        %dma_start3A_109 = arith.constant 0 : i32
        %dma_start3A_110 = tpu.memref_slice %arg8[%add3A_101, %dma_start3A_109] : memref<125x80xi32, #tpu.memory_space<vmem>> -> memref<1x80xi32, #tpu.memory_space<vmem>>
        %dma_start3A_111 = tpu.memref_squeeze %dma_start3A_110 : memref<1x80xi32, #tpu.memory_space<vmem>> -> memref<80xi32, #tpu.memory_space<vmem>>
        %dma_start3A_112 = arith.constant 0 : i32
        %dma_start3A_113 = arith.constant 0 : i32
        %dma_start3A_114 = tpu.memref_slice %arg11[%dma_start3A_112, %dma_start3A_113] : memref<10240x128xf32, #tpu.memory_space<vmem_shared>> -> memref<10240x128xf32, #tpu.memory_space<vmem_shared>>
        tpu.enqueue_indirect_dma source(%arg10 : memref<80x128xf32, #tpu.memory_space<vmem>>) target(%dma_start3A_114 : memref<10240x128xf32, #tpu.memory_space<vmem_shared>>) offsets(%dma_start3A_111 : memref<80xi32, #tpu.memory_space<vmem>>) semaphore(%run_scoped3A_108 : memref<!tpu.dma_semaphore, #tpu.memory_space<semaphore_mem>>) {add = true}
        %dma_wait3A_115 = arith.constant 0 : i32
        %dma_wait3A_116 = tpu.memref_slice %arg8[%add3A_101, %dma_wait3A_115] : memref<125x80xi32, #tpu.memory_space<vmem>> -> memref<1x80xi32, #tpu.memory_space<vmem>>
        %dma_wait3A_117 = tpu.memref_squeeze %dma_wait3A_116 : memref<1x80xi32, #tpu.memory_space<vmem>> -> memref<80xi32, #tpu.memory_space<vmem>>
        %dma_wait3A_118 = arith.constant 0 : i32
        %dma_wait3A_119 = arith.constant 0 : i32
        %dma_wait3A_120 = tpu.memref_slice %arg11[%dma_wait3A_118, %dma_wait3A_119] : memref<10240x128xf32, #tpu.memory_space<vmem_shared>> -> memref<10240x128xf32, #tpu.memory_space<vmem_shared>>
        tpu.wait_indirect_dma semaphore(%run_scoped3A_108 : memref<!tpu.dma_semaphore, #tpu.memory_space<semaphore_mem>>) src(%arg10 : memref<80x128xf32, #tpu.memory_space<vmem>>) dst(%dma_wait3A_120 : memref<10240x128xf32, #tpu.memory_space<vmem_shared>>)
        tpu.yield
      }) : () -> ()
    }
    %scan3A_20 = arith.constant 62 : i32
    %dma_wait3A = arith.constant 0 : i32
    %dma_wait3A_21 = arith.constant 0 : i32
    %dma_wait3A_22 = tpu.memref_slice %arg2[%dma_wait3A, %dma_wait3A_21] : memref<320000x128xf32, #tpu.memory_space<hbm>> -> memref<80x128xf32, #tpu.memory_space<hbm>>
    %dma_wait3A_23 = arith.constant 0 : i32
    %dma_wait3A_24 = arith.constant 0 : i32
    %dma_wait3A_25 = tpu.memref_slice %arg2[%dma_wait3A_23, %dma_wait3A_24] : memref<320000x128xf32, #tpu.memory_space<hbm>> -> memref<80x128xf32, #tpu.memory_space<hbm>>
    tpu.wait_dma2 semaphore(%arg12 : memref<!tpu.dma_semaphore, #tpu.memory_space<semaphore_mem>>) src(%dma_wait3A_25 : memref<80x128xf32, #tpu.memory_space<hbm>>) dst(%arg9 : memref<80x128xf32, #tpu.memory_space<vmem>>)
    %run_scoped3A = arith.constant 124 : i32
    "tpu.region"() ({
      %run_scoped3A_67 = tpu.sem_alloc : memref<!tpu.dma_semaphore, #tpu.memory_space<semaphore_mem>>
      %dma_start3A_68 = arith.constant 0 : i32
      %dma_start3A_69 = tpu.memref_slice %arg8[%run_scoped3A, %dma_start3A_68] : memref<125x80xi32, #tpu.memory_space<vmem>> -> memref<1x80xi32, #tpu.memory_space<vmem>>
      %dma_start3A_70 = tpu.memref_squeeze %dma_start3A_69 : memref<1x80xi32, #tpu.memory_space<vmem>> -> memref<80xi32, #tpu.memory_space<vmem>>
      %dma_start3A_71 = arith.constant 0 : i32
      %dma_start3A_72 = arith.constant 0 : i32
      %dma_start3A_73 = tpu.memref_slice %arg11[%dma_start3A_71, %dma_start3A_72] : memref<10240x128xf32, #tpu.memory_space<vmem_shared>> -> memref<10240x128xf32, #tpu.memory_space<vmem_shared>>
      tpu.enqueue_indirect_dma source(%arg9 : memref<80x128xf32, #tpu.memory_space<vmem>>) target(%dma_start3A_73 : memref<10240x128xf32, #tpu.memory_space<vmem_shared>>) offsets(%dma_start3A_70 : memref<80xi32, #tpu.memory_space<vmem>>) semaphore(%run_scoped3A_67 : memref<!tpu.dma_semaphore, #tpu.memory_space<semaphore_mem>>) {add = true}
      %dma_wait3A_74 = arith.constant 0 : i32
      %dma_wait3A_75 = tpu.memref_slice %arg8[%run_scoped3A, %dma_wait3A_74] : memref<125x80xi32, #tpu.memory_space<vmem>> -> memref<1x80xi32, #tpu.memory_space<vmem>>
      %dma_wait3A_76 = tpu.memref_squeeze %dma_wait3A_75 : memref<1x80xi32, #tpu.memory_space<vmem>> -> memref<80xi32, #tpu.memory_space<vmem>>
      %dma_wait3A_77 = arith.constant 0 : i32
      %dma_wait3A_78 = arith.constant 0 : i32
      %dma_wait3A_79 = tpu.memref_slice %arg11[%dma_wait3A_77, %dma_wait3A_78] : memref<10240x128xf32, #tpu.memory_space<vmem_shared>> -> memref<10240x128xf32, #tpu.memory_space<vmem_shared>>
      tpu.wait_indirect_dma semaphore(%run_scoped3A_67 : memref<!tpu.dma_semaphore, #tpu.memory_space<semaphore_mem>>) src(%arg9 : memref<80x128xf32, #tpu.memory_space<vmem>>) dst(%dma_wait3A_79 : memref<10240x128xf32, #tpu.memory_space<vmem_shared>>)
      tpu.yield
    }) : () -> ()
    %barrier3A_26 = arith.constant 0 : index
    tpu.barrier barrier_id(%barrier3A_26)
    %scan3A_27 = arith.constant 0 : i32
    %scan3A_28 = arith.constant 0 : i32
    %scan3A_29 = arith.constant 8 : i32
    %scan3A_30 = arith.addi %scan3A_28, %scan3A_29 : i32
    %scan3A_31 = arith.constant 1 : i32
    scf.for %scan3A_67 = %scan3A_28 to %scan3A_30 step %scan3A_31  : i32 {
      %mul3A_68 = arith.constant 80 : i32
      %mul3A_69 = arith.muli %scan3A_67, %mul3A_68 : i32
      %add3A_70 = arith.addi %mul3A_4, %mul3A_69 : i32
      "tpu.region"() ({
        %run_scoped3A_74 = tpu.sem_alloc : memref<!tpu.dma_semaphore, #tpu.memory_space<semaphore_mem>>
        %dma_start3A_75 = arith.constant 0 : i32
        %dma_start3A_76 = tpu.memref_slice %arg11[%add3A_70, %dma_start3A_75] : memref<10240x128xf32, #tpu.memory_space<vmem_shared>> -> memref<80x128xf32, #tpu.memory_space<vmem_shared>>
        %dma_start3A_77 = arith.constant 0 : i32
        %dma_start3A_78 = tpu.memref_slice %arg11[%add3A_70, %dma_start3A_77] : memref<10240x128xf32, #tpu.memory_space<vmem_shared>> -> memref<80x128xf32, #tpu.memory_space<vmem_shared>>
        tpu.enqueue_dma source(%dma_start3A_78 : memref<80x128xf32, #tpu.memory_space<vmem_shared>>) target(%arg9 : memref<80x128xf32, #tpu.memory_space<vmem>>) target_semaphore(%run_scoped3A_74 : memref<!tpu.dma_semaphore, #tpu.memory_space<semaphore_mem>>)
        %dma_wait3A_79 = arith.constant 0 : i32
        %dma_wait3A_80 = tpu.memref_slice %arg11[%add3A_70, %dma_wait3A_79] : memref<10240x128xf32, #tpu.memory_space<vmem_shared>> -> memref<80x128xf32, #tpu.memory_space<vmem_shared>>
        %dma_wait3A_81 = arith.constant 0 : i32
        %dma_wait3A_82 = tpu.memref_slice %arg11[%add3A_70, %dma_wait3A_81] : memref<10240x128xf32, #tpu.memory_space<vmem_shared>> -> memref<80x128xf32, #tpu.memory_space<vmem_shared>>
        tpu.wait_dma2 semaphore(%run_scoped3A_74 : memref<!tpu.dma_semaphore, #tpu.memory_space<semaphore_mem>>) src(%dma_wait3A_82 : memref<80x128xf32, #tpu.memory_space<vmem_shared>>) dst(%arg9 : memref<80x128xf32, #tpu.memory_space<vmem>>)
        tpu.yield
      }) : () -> ()
      %mul3A_71 = arith.constant 80 : i32
      %mul3A_72 = arith.muli %scan3A_67, %mul3A_71 : i32
      %add3A_73 = arith.addi %mul3A_4, %mul3A_72 : i32
      "tpu.region"() ({
        %run_scoped3A_74 = tpu.sem_alloc : memref<!tpu.dma_semaphore, #tpu.memory_space<semaphore_mem>>
        %dma_start3A_75 = arith.constant 0 : i32
        %dma_start3A_76 = tpu.memref_slice %arg6[%arg0, %add3A_73, %dma_start3A_75] : memref<2x10240x128xf32, #tpu.memory_space<hbm>> -> memref<1x80x128xf32, #tpu.memory_space<hbm>>
        %dma_start3A_77 = tpu.memref_squeeze %dma_start3A_76 : memref<1x80x128xf32, #tpu.memory_space<hbm>> -> memref<80x128xf32, #tpu.memory_space<hbm>>
        %dma_start3A_78 = arith.constant 0 : i32
        %dma_start3A_79 = tpu.memref_slice %arg6[%arg0, %add3A_73, %dma_start3A_78] : memref<2x10240x128xf32, #tpu.memory_space<hbm>> -> memref<1x80x128xf32, #tpu.memory_space<hbm>>
        %dma_start3A_80 = tpu.memref_squeeze %dma_start3A_79 : memref<1x80x128xf32, #tpu.memory_space<hbm>> -> memref<80x128xf32, #tpu.memory_space<hbm>>
        tpu.enqueue_dma source(%arg9 : memref<80x128xf32, #tpu.memory_space<vmem>>) target(%dma_start3A_80 : memref<80x128xf32, #tpu.memory_space<hbm>>) target_semaphore(%run_scoped3A_74 : memref<!tpu.dma_semaphore, #tpu.memory_space<semaphore_mem>>)
        %dma_wait3A_81 = arith.constant 0 : i32
        %dma_wait3A_82 = tpu.memref_slice %arg6[%arg0, %add3A_73, %dma_wait3A_81] : memref<2x10240x128xf32, #tpu.memory_space<hbm>> -> memref<1x80x128xf32, #tpu.memory_space<hbm>>
        %dma_wait3A_83 = tpu.memref_squeeze %dma_wait3A_82 : memref<1x80x128xf32, #tpu.memory_space<hbm>> -> memref<80x128xf32, #tpu.memory_space<hbm>>
        %dma_wait3A_84 = arith.constant 0 : i32
        %dma_wait3A_85 = tpu.memref_slice %arg6[%arg0, %add3A_73, %dma_wait3A_84] : memref<2x10240x128xf32, #tpu.memory_space<hbm>> -> memref<1x80x128xf32, #tpu.memory_space<hbm>>
        %dma_wait3A_86 = tpu.memref_squeeze %dma_wait3A_85 : memref<1x80x128xf32, #tpu.memory_space<hbm>> -> memref<80x128xf32, #tpu.memory_space<hbm>>
        tpu.wait_dma2 semaphore(%run_scoped3A_74 : memref<!tpu.dma_semaphore, #tpu.memory_space<semaphore_mem>>) src(%arg9 : memref<80x128xf32, #tpu.memory_space<vmem>>) dst(%dma_wait3A_86 : memref<80x128xf32, #tpu.memory_space<hbm>>)
        tpu.yield
      }) : () -> ()
    }
    %scan3A_32 = arith.constant 8 : i32
    %barrier3A_33 = arith.constant 0 : index
    tpu.barrier barrier_id(%barrier3A_33)
    "tpu.region"() ({
      %run_scoped3A_67 = tpu.sem_alloc : memref<!tpu.dma_semaphore, #tpu.memory_space<semaphore_mem>>
      tpu.enqueue_dma source(%arg5 : memref<80x128xf32, #tpu.memory_space<hbm>>) target(%arg9 : memref<80x128xf32, #tpu.memory_space<vmem>>) target_semaphore(%run_scoped3A_67 : memref<!tpu.dma_semaphore, #tpu.memory_space<semaphore_mem>>)
      tpu.wait_dma2 semaphore(%run_scoped3A_67 : memref<!tpu.dma_semaphore, #tpu.memory_space<semaphore_mem>>) src(%arg5 : memref<80x128xf32, #tpu.memory_space<hbm>>) dst(%arg9 : memref<80x128xf32, #tpu.memory_space<vmem>>)
      tpu.yield
    }) : () -> ()
    %scan3A_34 = arith.constant 0 : i32
    %scan3A_35 = arith.constant 0 : i32
    %scan3A_36 = arith.constant 8 : i32
    %scan3A_37 = arith.addi %scan3A_35, %scan3A_36 : i32
    %scan3A_38 = arith.constant 1 : i32
    scf.for %scan3A_67 = %scan3A_35 to %scan3A_37 step %scan3A_38  : i32 {
      %mul3A_68 = arith.constant 80 : i32
      %mul3A_69 = arith.muli %scan3A_67, %mul3A_68 : i32
      %add3A_70 = arith.addi %mul3A_4, %mul3A_69 : i32
      "tpu.region"() ({
        %run_scoped3A_71 = tpu.sem_alloc : memref<!tpu.dma_semaphore, #tpu.memory_space<semaphore_mem>>
        %dma_start3A_72 = arith.constant 0 : i32
        %dma_start3A_73 = tpu.memref_slice %arg11[%add3A_70, %dma_start3A_72] : memref<10240x128xf32, #tpu.memory_space<vmem_shared>> -> memref<80x128xf32, #tpu.memory_space<vmem_shared>>
        %dma_start3A_74 = arith.constant 0 : i32
        %dma_start3A_75 = tpu.memref_slice %arg11[%add3A_70, %dma_start3A_74] : memref<10240x128xf32, #tpu.memory_space<vmem_shared>> -> memref<80x128xf32, #tpu.memory_space<vmem_shared>>
        tpu.enqueue_dma source(%arg9 : memref<80x128xf32, #tpu.memory_space<vmem>>) target(%dma_start3A_75 : memref<80x128xf32, #tpu.memory_space<vmem_shared>>) target_semaphore(%run_scoped3A_71 : memref<!tpu.dma_semaphore, #tpu.memory_space<semaphore_mem>>)
        %dma_wait3A_76 = arith.constant 0 : i32
        %dma_wait3A_77 = tpu.memref_slice %arg11[%add3A_70, %dma_wait3A_76] : memref<10240x128xf32, #tpu.memory_space<vmem_shared>> -> memref<80x128xf32, #tpu.memory_space<vmem_shared>>
        %dma_wait3A_78 = arith.constant 0 : i32
        %dma_wait3A_79 = tpu.memref_slice %arg11[%add3A_70, %dma_wait3A_78] : memref<10240x128xf32, #tpu.memory_space<vmem_shared>> -> memref<80x128xf32, #tpu.memory_space<vmem_shared>>
        tpu.wait_dma2 semaphore(%run_scoped3A_71 : memref<!tpu.dma_semaphore, #tpu.memory_space<semaphore_mem>>) src(%arg9 : memref<80x128xf32, #tpu.memory_space<vmem>>) dst(%dma_wait3A_79 : memref<80x128xf32, #tpu.memory_space<vmem_shared>>)
        tpu.yield
      }) : () -> ()
    }
    %scan3A_39 = arith.constant 8 : i32
    %barrier3A_40 = arith.constant 0 : index
    tpu.barrier barrier_id(%barrier3A_40)
    %add3A_41 = arith.constant 0 : i32
    %add3A_42 = arith.addi %mul3A_2, %add3A_41 : i32
    %dma_start3A_43 = arith.constant 0 : i32
    %dma_start3A_44 = tpu.memref_slice %arg3[%add3A_42, %dma_start3A_43] : memref<320000x128xf32, #tpu.memory_space<hbm>> -> memref<80x128xf32, #tpu.memory_space<hbm>>
    %dma_start3A_45 = arith.constant 0 : i32
    %dma_start3A_46 = tpu.memref_slice %arg3[%add3A_42, %dma_start3A_45] : memref<320000x128xf32, #tpu.memory_space<hbm>> -> memref<80x128xf32, #tpu.memory_space<hbm>>
    tpu.enqueue_dma source(%dma_start3A_46 : memref<80x128xf32, #tpu.memory_space<hbm>>) target(%arg9 : memref<80x128xf32, #tpu.memory_space<vmem>>) target_semaphore(%arg12 : memref<!tpu.dma_semaphore, #tpu.memory_space<semaphore_mem>>)
    %scan3A_47 = arith.constant 0 : i32
    %scan3A_48 = arith.constant 0 : i32
    %scan3A_49 = arith.constant 62 : i32
    %scan3A_50 = arith.addi %scan3A_48, %scan3A_49 : i32
    %scan3A_51 = arith.constant 1 : i32
    scf.for %scan3A_67 = %scan3A_48 to %scan3A_50 step %scan3A_51  : i32 {
      %mul3A_68 = arith.constant 2 : i32
      %mul3A_69 = arith.muli %mul3A_68, %scan3A_67 : i32
      %add3A_70 = arith.constant 1 : i32
      %add3A_71 = arith.addi %mul3A_69, %add3A_70 : i32
      %mul3A_72 = arith.constant 80 : i32
      %mul3A_73 = arith.muli %add3A_71, %mul3A_72 : i32
      %add3A_74 = arith.addi %mul3A_2, %mul3A_73 : i32
      %dma_start3A_75 = arith.constant 0 : i32
      %dma_start3A_76 = tpu.memref_slice %arg3[%add3A_74, %dma_start3A_75] : memref<320000x128xf32, #tpu.memory_space<hbm>> -> memref<80x128xf32, #tpu.memory_space<hbm>>
      %dma_start3A_77 = arith.constant 0 : i32
      %dma_start3A_78 = tpu.memref_slice %arg3[%add3A_74, %dma_start3A_77] : memref<320000x128xf32, #tpu.memory_space<hbm>> -> memref<80x128xf32, #tpu.memory_space<hbm>>
      tpu.enqueue_dma source(%dma_start3A_78 : memref<80x128xf32, #tpu.memory_space<hbm>>) target(%arg10 : memref<80x128xf32, #tpu.memory_space<vmem>>) target_semaphore(%arg13 : memref<!tpu.dma_semaphore, #tpu.memory_space<semaphore_mem>>)
      %mul3A_79 = arith.constant 2 : i32
      %mul3A_80 = arith.muli %mul3A_79, %scan3A_67 : i32
      %dma_wait3A_81 = arith.constant 0 : i32
      %dma_wait3A_82 = arith.constant 0 : i32
      %dma_wait3A_83 = tpu.memref_slice %arg3[%dma_wait3A_81, %dma_wait3A_82] : memref<320000x128xf32, #tpu.memory_space<hbm>> -> memref<80x128xf32, #tpu.memory_space<hbm>>
      %dma_wait3A_84 = arith.constant 0 : i32
      %dma_wait3A_85 = arith.constant 0 : i32
      %dma_wait3A_86 = tpu.memref_slice %arg3[%dma_wait3A_84, %dma_wait3A_85] : memref<320000x128xf32, #tpu.memory_space<hbm>> -> memref<80x128xf32, #tpu.memory_space<hbm>>
      tpu.wait_dma2 semaphore(%arg12 : memref<!tpu.dma_semaphore, #tpu.memory_space<semaphore_mem>>) src(%dma_wait3A_86 : memref<80x128xf32, #tpu.memory_space<hbm>>) dst(%arg9 : memref<80x128xf32, #tpu.memory_space<vmem>>)
      "tpu.region"() ({
        %run_scoped3A_108 = tpu.sem_alloc : memref<!tpu.dma_semaphore, #tpu.memory_space<semaphore_mem>>
        %dma_start3A_109 = arith.constant 0 : i32
        %dma_start3A_110 = tpu.memref_slice %arg8[%mul3A_80, %dma_start3A_109] : memref<125x80xi32, #tpu.memory_space<vmem>> -> memref<1x80xi32, #tpu.memory_space<vmem>>
        %dma_start3A_111 = tpu.memref_squeeze %dma_start3A_110 : memref<1x80xi32, #tpu.memory_space<vmem>> -> memref<80xi32, #tpu.memory_space<vmem>>
        %dma_start3A_112 = arith.constant 0 : i32
        %dma_start3A_113 = arith.constant 0 : i32
        %dma_start3A_114 = tpu.memref_slice %arg11[%dma_start3A_112, %dma_start3A_113] : memref<10240x128xf32, #tpu.memory_space<vmem_shared>> -> memref<10240x128xf32, #tpu.memory_space<vmem_shared>>
        tpu.enqueue_indirect_dma source(%arg9 : memref<80x128xf32, #tpu.memory_space<vmem>>) target(%dma_start3A_114 : memref<10240x128xf32, #tpu.memory_space<vmem_shared>>) offsets(%dma_start3A_111 : memref<80xi32, #tpu.memory_space<vmem>>) semaphore(%run_scoped3A_108 : memref<!tpu.dma_semaphore, #tpu.memory_space<semaphore_mem>>) {add = true}
        %dma_wait3A_115 = arith.constant 0 : i32
        %dma_wait3A_116 = tpu.memref_slice %arg8[%mul3A_80, %dma_wait3A_115] : memref<125x80xi32, #tpu.memory_space<vmem>> -> memref<1x80xi32, #tpu.memory_space<vmem>>
        %dma_wait3A_117 = tpu.memref_squeeze %dma_wait3A_116 : memref<1x80xi32, #tpu.memory_space<vmem>> -> memref<80xi32, #tpu.memory_space<vmem>>
        %dma_wait3A_118 = arith.constant 0 : i32
        %dma_wait3A_119 = arith.constant 0 : i32
        %dma_wait3A_120 = tpu.memref_slice %arg11[%dma_wait3A_118, %dma_wait3A_119] : memref<10240x128xf32, #tpu.memory_space<vmem_shared>> -> memref<10240x128xf32, #tpu.memory_space<vmem_shared>>
        tpu.wait_indirect_dma semaphore(%run_scoped3A_108 : memref<!tpu.dma_semaphore, #tpu.memory_space<semaphore_mem>>) src(%arg9 : memref<80x128xf32, #tpu.memory_space<vmem>>) dst(%dma_wait3A_120 : memref<10240x128xf32, #tpu.memory_space<vmem_shared>>)
        tpu.yield
      }) : () -> ()
      %mul3A_87 = arith.constant 2 : i32
      %mul3A_88 = arith.muli %mul3A_87, %scan3A_67 : i32
      %add3A_89 = arith.constant 2 : i32
      %add3A_90 = arith.addi %mul3A_88, %add3A_89 : i32
      %mul3A_91 = arith.constant 80 : i32
      %mul3A_92 = arith.muli %add3A_90, %mul3A_91 : i32
      %add3A_93 = arith.addi %mul3A_2, %mul3A_92 : i32
      %dma_start3A_94 = arith.constant 0 : i32
      %dma_start3A_95 = tpu.memref_slice %arg3[%add3A_93, %dma_start3A_94] : memref<320000x128xf32, #tpu.memory_space<hbm>> -> memref<80x128xf32, #tpu.memory_space<hbm>>
      %dma_start3A_96 = arith.constant 0 : i32
      %dma_start3A_97 = tpu.memref_slice %arg3[%add3A_93, %dma_start3A_96] : memref<320000x128xf32, #tpu.memory_space<hbm>> -> memref<80x128xf32, #tpu.memory_space<hbm>>
      tpu.enqueue_dma source(%dma_start3A_97 : memref<80x128xf32, #tpu.memory_space<hbm>>) target(%arg9 : memref<80x128xf32, #tpu.memory_space<vmem>>) target_semaphore(%arg12 : memref<!tpu.dma_semaphore, #tpu.memory_space<semaphore_mem>>)
      %mul3A_98 = arith.constant 2 : i32
      %mul3A_99 = arith.muli %mul3A_98, %scan3A_67 : i32
      %add3A_100 = arith.constant 1 : i32
      %add3A_101 = arith.addi %mul3A_99, %add3A_100 : i32
      %dma_wait3A_102 = arith.constant 0 : i32
      %dma_wait3A_103 = arith.constant 0 : i32
      %dma_wait3A_104 = tpu.memref_slice %arg3[%dma_wait3A_102, %dma_wait3A_103] : memref<320000x128xf32, #tpu.memory_space<hbm>> -> memref<80x128xf32, #tpu.memory_space<hbm>>
      %dma_wait3A_105 = arith.constant 0 : i32
      %dma_wait3A_106 = arith.constant 0 : i32
      %dma_wait3A_107 = tpu.memref_slice %arg3[%dma_wait3A_105, %dma_wait3A_106] : memref<320000x128xf32, #tpu.memory_space<hbm>> -> memref<80x128xf32, #tpu.memory_space<hbm>>
      tpu.wait_dma2 semaphore(%arg13 : memref<!tpu.dma_semaphore, #tpu.memory_space<semaphore_mem>>) src(%dma_wait3A_107 : memref<80x128xf32, #tpu.memory_space<hbm>>) dst(%arg10 : memref<80x128xf32, #tpu.memory_space<vmem>>)
      "tpu.region"() ({
        %run_scoped3A_108 = tpu.sem_alloc : memref<!tpu.dma_semaphore, #tpu.memory_space<semaphore_mem>>
        %dma_start3A_109 = arith.constant 0 : i32
        %dma_start3A_110 = tpu.memref_slice %arg8[%add3A_101, %dma_start3A_109] : memref<125x80xi32, #tpu.memory_space<vmem>> -> memref<1x80xi32, #tpu.memory_space<vmem>>
        %dma_start3A_111 = tpu.memref_squeeze %dma_start3A_110 : memref<1x80xi32, #tpu.memory_space<vmem>> -> memref<80xi32, #tpu.memory_space<vmem>>
        %dma_start3A_112 = arith.constant 0 : i32
        %dma_start3A_113 = arith.constant 0 : i32
        %dma_start3A_114 = tpu.memref_slice %arg11[%dma_start3A_112, %dma_start3A_113] : memref<10240x128xf32, #tpu.memory_space<vmem_shared>> -> memref<10240x128xf32, #tpu.memory_space<vmem_shared>>
        tpu.enqueue_indirect_dma source(%arg10 : memref<80x128xf32, #tpu.memory_space<vmem>>) target(%dma_start3A_114 : memref<10240x128xf32, #tpu.memory_space<vmem_shared>>) offsets(%dma_start3A_111 : memref<80xi32, #tpu.memory_space<vmem>>) semaphore(%run_scoped3A_108 : memref<!tpu.dma_semaphore, #tpu.memory_space<semaphore_mem>>) {add = true}
        %dma_wait3A_115 = arith.constant 0 : i32
        %dma_wait3A_116 = tpu.memref_slice %arg8[%add3A_101, %dma_wait3A_115] : memref<125x80xi32, #tpu.memory_space<vmem>> -> memref<1x80xi32, #tpu.memory_space<vmem>>
        %dma_wait3A_117 = tpu.memref_squeeze %dma_wait3A_116 : memref<1x80xi32, #tpu.memory_space<vmem>> -> memref<80xi32, #tpu.memory_space<vmem>>
        %dma_wait3A_118 = arith.constant 0 : i32
        %dma_wait3A_119 = arith.constant 0 : i32
        %dma_wait3A_120 = tpu.memref_slice %arg11[%dma_wait3A_118, %dma_wait3A_119] : memref<10240x128xf32, #tpu.memory_space<vmem_shared>> -> memref<10240x128xf32, #tpu.memory_space<vmem_shared>>
        tpu.wait_indirect_dma semaphore(%run_scoped3A_108 : memref<!tpu.dma_semaphore, #tpu.memory_space<semaphore_mem>>) src(%arg10 : memref<80x128xf32, #tpu.memory_space<vmem>>) dst(%dma_wait3A_120 : memref<10240x128xf32, #tpu.memory_space<vmem_shared>>)
        tpu.yield
      }) : () -> ()
    }
    %scan3A_52 = arith.constant 62 : i32
    %dma_wait3A_53 = arith.constant 0 : i32
    %dma_wait3A_54 = arith.constant 0 : i32
    %dma_wait3A_55 = tpu.memref_slice %arg3[%dma_wait3A_53, %dma_wait3A_54] : memref<320000x128xf32, #tpu.memory_space<hbm>> -> memref<80x128xf32, #tpu.memory_space<hbm>>
    %dma_wait3A_56 = arith.constant 0 : i32
    %dma_wait3A_57 = arith.constant 0 : i32
    %dma_wait3A_58 = tpu.memref_slice %arg3[%dma_wait3A_56, %dma_wait3A_57] : memref<320000x128xf32, #tpu.memory_space<hbm>> -> memref<80x128xf32, #tpu.memory_space<hbm>>
    tpu.wait_dma2 semaphore(%arg12 : memref<!tpu.dma_semaphore, #tpu.memory_space<semaphore_mem>>) src(%dma_wait3A_58 : memref<80x128xf32, #tpu.memory_space<hbm>>) dst(%arg9 : memref<80x128xf32, #tpu.memory_space<vmem>>)
    %run_scoped3A_59 = arith.constant 124 : i32
    "tpu.region"() ({
      %run_scoped3A_67 = tpu.sem_alloc : memref<!tpu.dma_semaphore, #tpu.memory_space<semaphore_mem>>
      %dma_start3A_68 = arith.constant 0 : i32
      %dma_start3A_69 = tpu.memref_slice %arg8[%run_scoped3A_59, %dma_start3A_68] : memref<125x80xi32, #tpu.memory_space<vmem>> -> memref<1x80xi32, #tpu.memory_space<vmem>>
      %dma_start3A_70 = tpu.memref_squeeze %dma_start3A_69 : memref<1x80xi32, #tpu.memory_space<vmem>> -> memref<80xi32, #tpu.memory_space<vmem>>
      %dma_start3A_71 = arith.constant 0 : i32
      %dma_start3A_72 = arith.constant 0 : i32
      %dma_start3A_73 = tpu.memref_slice %arg11[%dma_start3A_71, %dma_start3A_72] : memref<10240x128xf32, #tpu.memory_space<vmem_shared>> -> memref<10240x128xf32, #tpu.memory_space<vmem_shared>>
      tpu.enqueue_indirect_dma source(%arg9 : memref<80x128xf32, #tpu.memory_space<vmem>>) target(%dma_start3A_73 : memref<10240x128xf32, #tpu.memory_space<vmem_shared>>) offsets(%dma_start3A_70 : memref<80xi32, #tpu.memory_space<vmem>>) semaphore(%run_scoped3A_67 : memref<!tpu.dma_semaphore, #tpu.memory_space<semaphore_mem>>) {add = true}
      %dma_wait3A_74 = arith.constant 0 : i32
      %dma_wait3A_75 = tpu.memref_slice %arg8[%run_scoped3A_59, %dma_wait3A_74] : memref<125x80xi32, #tpu.memory_space<vmem>> -> memref<1x80xi32, #tpu.memory_space<vmem>>
      %dma_wait3A_76 = tpu.memref_squeeze %dma_wait3A_75 : memref<1x80xi32, #tpu.memory_space<vmem>> -> memref<80xi32, #tpu.memory_space<vmem>>
      %dma_wait3A_77 = arith.constant 0 : i32
      %dma_wait3A_78 = arith.constant 0 : i32
      %dma_wait3A_79 = tpu.memref_slice %arg11[%dma_wait3A_77, %dma_wait3A_78] : memref<10240x128xf32, #tpu.memory_space<vmem_shared>> -> memref<10240x128xf32, #tpu.memory_space<vmem_shared>>
      tpu.wait_indirect_dma semaphore(%run_scoped3A_67 : memref<!tpu.dma_semaphore, #tpu.memory_space<semaphore_mem>>) src(%arg9 : memref<80x128xf32, #tpu.memory_space<vmem>>) dst(%dma_wait3A_79 : memref<10240x128xf32, #tpu.memory_space<vmem_shared>>)
      tpu.yield
    }) : () -> ()
    %barrier3A_60 = arith.constant 0 : index
    tpu.barrier barrier_id(%barrier3A_60)
    %scan3A_61 = arith.constant 0 : i32
    %scan3A_62 = arith.constant 0 : i32
    %scan3A_63 = arith.constant 8 : i32
    %scan3A_64 = arith.addi %scan3A_62, %scan3A_63 : i32
    %scan3A_65 = arith.constant 1 : i32
    scf.for %scan3A_67 = %scan3A_62 to %scan3A_64 step %scan3A_65  : i32 {
      %mul3A_68 = arith.constant 80 : i32
      %mul3A_69 = arith.muli %scan3A_67, %mul3A_68 : i32
      %add3A_70 = arith.addi %mul3A_4, %mul3A_69 : i32
      "tpu.region"() ({
        %run_scoped3A_74 = tpu.sem_alloc : memref<!tpu.dma_semaphore, #tpu.memory_space<semaphore_mem>>
        %dma_start3A_75 = arith.constant 0 : i32
        %dma_start3A_76 = tpu.memref_slice %arg11[%add3A_70, %dma_start3A_75] : memref<10240x128xf32, #tpu.memory_space<vmem_shared>> -> memref<80x128xf32, #tpu.memory_space<vmem_shared>>
        %dma_start3A_77 = arith.constant 0 : i32
        %dma_start3A_78 = tpu.memref_slice %arg11[%add3A_70, %dma_start3A_77] : memref<10240x128xf32, #tpu.memory_space<vmem_shared>> -> memref<80x128xf32, #tpu.memory_space<vmem_shared>>
        tpu.enqueue_dma source(%dma_start3A_78 : memref<80x128xf32, #tpu.memory_space<vmem_shared>>) target(%arg9 : memref<80x128xf32, #tpu.memory_space<vmem>>) target_semaphore(%run_scoped3A_74 : memref<!tpu.dma_semaphore, #tpu.memory_space<semaphore_mem>>)
        %dma_wait3A_79 = arith.constant 0 : i32
        %dma_wait3A_80 = tpu.memref_slice %arg11[%add3A_70, %dma_wait3A_79] : memref<10240x128xf32, #tpu.memory_space<vmem_shared>> -> memref<80x128xf32, #tpu.memory_space<vmem_shared>>
        %dma_wait3A_81 = arith.constant 0 : i32
        %dma_wait3A_82 = tpu.memref_slice %arg11[%add3A_70, %dma_wait3A_81] : memref<10240x128xf32, #tpu.memory_space<vmem_shared>> -> memref<80x128xf32, #tpu.memory_space<vmem_shared>>
        tpu.wait_dma2 semaphore(%run_scoped3A_74 : memref<!tpu.dma_semaphore, #tpu.memory_space<semaphore_mem>>) src(%dma_wait3A_82 : memref<80x128xf32, #tpu.memory_space<vmem_shared>>) dst(%arg9 : memref<80x128xf32, #tpu.memory_space<vmem>>)
        tpu.yield
      }) : () -> ()
      %mul3A_71 = arith.constant 80 : i32
      %mul3A_72 = arith.muli %scan3A_67, %mul3A_71 : i32
      %add3A_73 = arith.addi %mul3A_4, %mul3A_72 : i32
      "tpu.region"() ({
        %run_scoped3A_74 = tpu.sem_alloc : memref<!tpu.dma_semaphore, #tpu.memory_space<semaphore_mem>>
        %dma_start3A_75 = arith.constant 0 : i32
        %dma_start3A_76 = tpu.memref_slice %arg7[%arg0, %add3A_73, %dma_start3A_75] : memref<2x10240x128xf32, #tpu.memory_space<hbm>> -> memref<1x80x128xf32, #tpu.memory_space<hbm>>
        %dma_start3A_77 = tpu.memref_squeeze %dma_start3A_76 : memref<1x80x128xf32, #tpu.memory_space<hbm>> -> memref<80x128xf32, #tpu.memory_space<hbm>>
        %dma_start3A_78 = arith.constant 0 : i32
        %dma_start3A_79 = tpu.memref_slice %arg7[%arg0, %add3A_73, %dma_start3A_78] : memref<2x10240x128xf32, #tpu.memory_space<hbm>> -> memref<1x80x128xf32, #tpu.memory_space<hbm>>
        %dma_start3A_80 = tpu.memref_squeeze %dma_start3A_79 : memref<1x80x128xf32, #tpu.memory_space<hbm>> -> memref<80x128xf32, #tpu.memory_space<hbm>>
        tpu.enqueue_dma source(%arg9 : memref<80x128xf32, #tpu.memory_space<vmem>>) target(%dma_start3A_80 : memref<80x128xf32, #tpu.memory_space<hbm>>) target_semaphore(%run_scoped3A_74 : memref<!tpu.dma_semaphore, #tpu.memory_space<semaphore_mem>>)
        %dma_wait3A_81 = arith.constant 0 : i32
        %dma_wait3A_82 = tpu.memref_slice %arg7[%arg0, %add3A_73, %dma_wait3A_81] : memref<2x10240x128xf32, #tpu.memory_space<hbm>> -> memref<1x80x128xf32, #tpu.memory_space<hbm>>
        %dma_wait3A_83 = tpu.memref_squeeze %dma_wait3A_82 : memref<1x80x128xf32, #tpu.memory_space<hbm>> -> memref<80x128xf32, #tpu.memory_space<hbm>>
        %dma_wait3A_84 = arith.constant 0 : i32
        %dma_wait3A_85 = tpu.memref_slice %arg7[%arg0, %add3A_73, %dma_wait3A_84] : memref<2x10240x128xf32, #tpu.memory_space<hbm>> -> memref<1x80x128xf32, #tpu.memory_space<hbm>>
        %dma_wait3A_86 = tpu.memref_squeeze %dma_wait3A_85 : memref<1x80x128xf32, #tpu.memory_space<hbm>> -> memref<80x128xf32, #tpu.memory_space<hbm>>
        tpu.wait_dma2 semaphore(%run_scoped3A_74 : memref<!tpu.dma_semaphore, #tpu.memory_space<semaphore_mem>>) src(%arg9 : memref<80x128xf32, #tpu.memory_space<vmem>>) dst(%dma_wait3A_86 : memref<80x128xf32, #tpu.memory_space<hbm>>)
        tpu.yield
      }) : () -> ()
    }
    %scan3A_66 = arith.constant 8 : i32
    return
  }
}

module attributes {stable_mosaic.version = 14 : i64} {
  func.func @_node_body(%arg0: i32, %arg1: memref<1000x128xf32, #tpu.memory_space<vmem>>, %arg2: memref<1000x16xf32, #tpu.memory_space<vmem>>, %arg3: memref<128x128xf32, #tpu.memory_space<vmem>>, %arg4: memref<128x128xf32, #tpu.memory_space<vmem>>, %arg5: memref<128x128xf32, #tpu.memory_space<vmem>>, %arg6: memref<1x128xf32, #tpu.memory_space<vmem>>, %arg7: memref<1x128xf32, #tpu.memory_space<vmem>>, %arg8: memref<1x128xf32, #tpu.memory_space<vmem>>, %arg9: memref<16x48xf32, #tpu.memory_space<vmem>>, %arg10: memref<48x128xf32, #tpu.memory_space<vmem>>, %arg11: memref<48x128xf32, #tpu.memory_space<vmem>>, %arg12: memref<1x128xf32, #tpu.memory_space<vmem>>, %arg13: memref<128x128xf32, #tpu.memory_space<vmem>>, %arg14: memref<1000x128xf32, #tpu.memory_space<vmem>>, %arg15: memref<1000x128xf32, #tpu.memory_space<vmem>>, %arg16: memref<1000x128xf32, #tpu.memory_space<vmem>>) attributes {dimension_semantics = [#tpu.dimension_semantics<arbitrary>], iteration_bounds = array<i64: 10>, scalar_prefetch = 0 : i64, scratch_operands = 0 : i64, tpu.core_type = #tpu.core_type<tc>, window_params = [{transform_indices = @transform_0, window_bounds = array<i64: 1000, 128>}, {transform_indices = @transform_1, window_bounds = array<i64: 1000, 16>}, {pipeline_mode = #tpu.pipeline_mode<synchronous>, transform_indices = @transform_2, window_bounds = array<i64: 128, 128>}, {pipeline_mode = #tpu.pipeline_mode<synchronous>, transform_indices = @transform_3, window_bounds = array<i64: 128, 128>}, {pipeline_mode = #tpu.pipeline_mode<synchronous>, transform_indices = @transform_4, window_bounds = array<i64: 128, 128>}, {pipeline_mode = #tpu.pipeline_mode<synchronous>, transform_indices = @transform_5, window_bounds = array<i64: 1, 128>}, {pipeline_mode = #tpu.pipeline_mode<synchronous>, transform_indices = @transform_6, window_bounds = array<i64: 1, 128>}, {pipeline_mode = #tpu.pipeline_mode<synchronous>, transform_indices = @transform_7, window_bounds = array<i64: 1, 128>}, {pipeline_mode = #tpu.pipeline_mode<synchronous>, transform_indices = @transform_8, window_bounds = array<i64: 16, 48>}, {pipeline_mode = #tpu.pipeline_mode<synchronous>, transform_indices = @transform_9, window_bounds = array<i64: 48, 128>}, {pipeline_mode = #tpu.pipeline_mode<synchronous>, transform_indices = @transform_10, window_bounds = array<i64: 48, 128>}, {pipeline_mode = #tpu.pipeline_mode<synchronous>, transform_indices = @transform_11, window_bounds = array<i64: 1, 128>}, {pipeline_mode = #tpu.pipeline_mode<synchronous>, transform_indices = @transform_12, window_bounds = array<i64: 128, 128>}, {transform_indices = @transform_13, window_bounds = array<i64: 1000, 128>}, {transform_indices = @transform_14, window_bounds = array<i64: 1000, 128>}, {transform_indices = @transform_15, window_bounds = array<i64: 1000, 128>}]} {
    %get3A = arith.constant 0 : index
    %get3A_0 = arith.constant 0 : index
    %get3A_1 = vector.load %arg1[%get3A, %get3A_0] : memref<1000x128xf32, #tpu.memory_space<vmem>>, vector<1000x128xf32>
    %get3A_2 = arith.constant 0 : index
    %get3A_3 = arith.constant 0 : index
    %get3A_4 = vector.load %arg3[%get3A_2, %get3A_3] : memref<128x128xf32, #tpu.memory_space<vmem>>, vector<128x128xf32>
    %dot_general3A = arith.constant dense<0.000000e+00> : vector<1000x128xf32>
    %dot_general3A_5 = tpu.matmul %get3A_1, %get3A_4, %dot_general3A {dimension_numbers = #tpu.dot_dimension_numbers<[1], [0], [0], [1], [0, 0, 1, 1], [], []>, transpose_lhs_hint = false} : vector<1000x128xf32>, vector<128x128xf32>, vector<1000x128xf32> -> vector<1000x128xf32>
    %get3A_6 = arith.constant 0 : index
    %get3A_7 = arith.constant 0 : index
    %get3A_8 = vector.load %arg6[%get3A_6, %get3A_7] : memref<1x128xf32, #tpu.memory_space<vmem>>, vector<1x128xf32>
    %add3A = vector.broadcast %get3A_8 : vector<1x128xf32> to vector<1000x128xf32>
    %add3A_9 = arith.addf %dot_general3A_5, %add3A : vector<1000x128xf32>
    %get3A_10 = arith.constant 0 : index
    %get3A_11 = arith.constant 0 : index
    %get3A_12 = vector.load %arg4[%get3A_10, %get3A_11] : memref<128x128xf32, #tpu.memory_space<vmem>>, vector<128x128xf32>
    %dot_general3A_13 = arith.constant dense<0.000000e+00> : vector<1000x128xf32>
    %dot_general3A_14 = tpu.matmul %get3A_1, %get3A_12, %dot_general3A_13 {dimension_numbers = #tpu.dot_dimension_numbers<[1], [0], [0], [1], [0, 0, 1, 1], [], []>, transpose_lhs_hint = false} : vector<1000x128xf32>, vector<128x128xf32>, vector<1000x128xf32> -> vector<1000x128xf32>
    %get3A_15 = arith.constant 0 : index
    %get3A_16 = arith.constant 0 : index
    %get3A_17 = vector.load %arg7[%get3A_15, %get3A_16] : memref<1x128xf32, #tpu.memory_space<vmem>>, vector<1x128xf32>
    %add3A_18 = vector.broadcast %get3A_17 : vector<1x128xf32> to vector<1000x128xf32>
    %add3A_19 = arith.addf %dot_general3A_14, %add3A_18 : vector<1000x128xf32>
    %get3A_20 = arith.constant 0 : index
    %get3A_21 = arith.constant 0 : index
    %get3A_22 = vector.load %arg5[%get3A_20, %get3A_21] : memref<128x128xf32, #tpu.memory_space<vmem>>, vector<128x128xf32>
    %dot_general3A_23 = arith.constant dense<0.000000e+00> : vector<1000x128xf32>
    %dot_general3A_24 = tpu.matmul %get3A_1, %get3A_22, %dot_general3A_23 {dimension_numbers = #tpu.dot_dimension_numbers<[1], [0], [0], [1], [0, 0, 1, 1], [], []>, transpose_lhs_hint = false} : vector<1000x128xf32>, vector<128x128xf32>, vector<1000x128xf32> -> vector<1000x128xf32>
    %get3A_25 = arith.constant 0 : index
    %get3A_26 = arith.constant 0 : index
    %get3A_27 = vector.load %arg8[%get3A_25, %get3A_26] : memref<1x128xf32, #tpu.memory_space<vmem>>, vector<1x128xf32>
    %add3A_28 = vector.broadcast %get3A_27 : vector<1x128xf32> to vector<1000x128xf32>
    %add3A_29 = arith.addf %dot_general3A_24, %add3A_28 : vector<1000x128xf32>
    %get3A_30 = arith.constant 0 : index
    %get3A_31 = arith.constant 0 : index
    %get3A_32 = vector.load %arg2[%get3A_30, %get3A_31] : memref<1000x16xf32, #tpu.memory_space<vmem>>, vector<1000x16xf32>
    %get3A_33 = arith.constant 0 : index
    %get3A_34 = arith.constant 0 : index
    %get3A_35 = vector.load %arg9[%get3A_33, %get3A_34] : memref<16x48xf32, #tpu.memory_space<vmem>>, vector<16x48xf32>
    %dot_general3A_36 = arith.constant dense<0.000000e+00> : vector<1000x48xf32>
    %dot_general3A_37 = tpu.matmul %get3A_32, %get3A_35, %dot_general3A_36 {dimension_numbers = #tpu.dot_dimension_numbers<[1], [0], [0], [1], [0, 0, 1, 1], [], []>, transpose_lhs_hint = false} : vector<1000x16xf32>, vector<16x48xf32>, vector<1000x48xf32> -> vector<1000x48xf32>
    %cos3A = math.cos %dot_general3A_37 : vector<1000x48xf32>
    %get3A_38 = arith.constant 0 : index
    %get3A_39 = arith.constant 0 : index
    %get3A_40 = vector.load %arg10[%get3A_38, %get3A_39] : memref<48x128xf32, #tpu.memory_space<vmem>>, vector<48x128xf32>
    %dot_general3A_41 = arith.constant dense<0.000000e+00> : vector<1000x128xf32>
    %dot_general3A_42 = tpu.matmul %cos3A, %get3A_40, %dot_general3A_41 {dimension_numbers = #tpu.dot_dimension_numbers<[1], [0], [0], [1], [0, 0, 1, 1], [], []>, transpose_lhs_hint = false} : vector<1000x48xf32>, vector<48x128xf32>, vector<1000x128xf32> -> vector<1000x128xf32>
    %get3A_43 = arith.constant 0 : index
    %get3A_44 = arith.constant 0 : index
    %get3A_45 = vector.load %arg12[%get3A_43, %get3A_44] : memref<1x128xf32, #tpu.memory_space<vmem>>, vector<1x128xf32>
    %add3A_46 = vector.broadcast %get3A_45 : vector<1x128xf32> to vector<1000x128xf32>
    %add3A_47 = arith.addf %dot_general3A_42, %add3A_46 : vector<1000x128xf32>
    %sin3A = math.sin %dot_general3A_37 : vector<1000x48xf32>
    %get3A_48 = arith.constant 0 : index
    %get3A_49 = arith.constant 0 : index
    %get3A_50 = vector.load %arg11[%get3A_48, %get3A_49] : memref<48x128xf32, #tpu.memory_space<vmem>>, vector<48x128xf32>
    %dot_general3A_51 = arith.constant dense<0.000000e+00> : vector<1000x128xf32>
    %dot_general3A_52 = tpu.matmul %sin3A, %get3A_50, %dot_general3A_51 {dimension_numbers = #tpu.dot_dimension_numbers<[1], [0], [0], [1], [0, 0, 1, 1], [], []>, transpose_lhs_hint = false} : vector<1000x48xf32>, vector<48x128xf32>, vector<1000x128xf32> -> vector<1000x128xf32>
    %mul3A = arith.mulf %add3A_9, %add3A_47 : vector<1000x128xf32>
    %get3A_53 = arith.constant 0 : index
    %get3A_54 = arith.constant 0 : index
    %get3A_55 = vector.load %arg13[%get3A_53, %get3A_54] : memref<128x128xf32, #tpu.memory_space<vmem>>, vector<128x128xf32>
    %dot_general3A_56 = arith.constant dense<0.000000e+00> : vector<1000x128xf32>
    %dot_general3A_57 = tpu.matmul %add3A_9, %get3A_55, %dot_general3A_56 {dimension_numbers = #tpu.dot_dimension_numbers<[1], [0], [0], [1], [0, 0, 1, 1], [], []>, transpose_lhs_hint = false} : vector<1000x128xf32>, vector<128x128xf32>, vector<1000x128xf32> -> vector<1000x128xf32>
    %mul3A_58 = arith.mulf %dot_general3A_57, %dot_general3A_52 : vector<1000x128xf32>
    %add3A_59 = arith.addf %mul3A, %mul3A_58 : vector<1000x128xf32>
    %swap3A = arith.constant 0 : index
    %swap3A_60 = arith.constant 0 : index
    %swap3A_61 = vector.load %arg14[%swap3A, %swap3A_60] : memref<1000x128xf32, #tpu.memory_space<vmem>>, vector<1000x128xf32>
    tpu.vector_store %arg14[%swap3A, %swap3A_60], %add3A_59 {strides = array<i32>} : memref<1000x128xf32, #tpu.memory_space<vmem>>, vector<1000x128xf32>,
    %mul3A_62 = arith.mulf %add3A_19, %add3A_47 : vector<1000x128xf32>
    %get3A_63 = arith.constant 0 : index
    %get3A_64 = arith.constant 0 : index
    %get3A_65 = vector.load %arg13[%get3A_63, %get3A_64] : memref<128x128xf32, #tpu.memory_space<vmem>>, vector<128x128xf32>
    %dot_general3A_66 = arith.constant dense<0.000000e+00> : vector<1000x128xf32>
    %dot_general3A_67 = tpu.matmul %add3A_19, %get3A_65, %dot_general3A_66 {dimension_numbers = #tpu.dot_dimension_numbers<[1], [0], [0], [1], [0, 0, 1, 1], [], []>, transpose_lhs_hint = false} : vector<1000x128xf32>, vector<128x128xf32>, vector<1000x128xf32> -> vector<1000x128xf32>
    %mul3A_68 = arith.mulf %dot_general3A_67, %dot_general3A_52 : vector<1000x128xf32>
    %add3A_69 = arith.addf %mul3A_62, %mul3A_68 : vector<1000x128xf32>
    %swap3A_70 = arith.constant 0 : index
    %swap3A_71 = arith.constant 0 : index
    %swap3A_72 = vector.load %arg15[%swap3A_70, %swap3A_71] : memref<1000x128xf32, #tpu.memory_space<vmem>>, vector<1000x128xf32>
    tpu.vector_store %arg15[%swap3A_70, %swap3A_71], %add3A_69 {strides = array<i32>} : memref<1000x128xf32, #tpu.memory_space<vmem>>, vector<1000x128xf32>,
    %swap3A_73 = arith.constant 0 : index
    %swap3A_74 = arith.constant 0 : index
    %swap3A_75 = vector.load %arg16[%swap3A_73, %swap3A_74] : memref<1000x128xf32, #tpu.memory_space<vmem>>, vector<1000x128xf32>
    tpu.vector_store %arg16[%swap3A_73, %swap3A_74], %add3A_29 {strides = array<i32>} : memref<1000x128xf32, #tpu.memory_space<vmem>>, vector<1000x128xf32>,
    return
  }
  func.func @transform_0(%arg0: i32) -> (i32, i32) {
    %c0_i32 = arith.constant 0 : i32
    %c0_i32_0 = arith.constant 0 : i32
    return %arg0, %c0_i32 : i32, i32
  }
  func.func @transform_1(%arg0: i32) -> (i32, i32) {
    %c0_i32 = arith.constant 0 : i32
    %c0_i32_0 = arith.constant 0 : i32
    return %arg0, %c0_i32 : i32, i32
  }
  func.func @transform_2(%arg0: i32) -> (i32, i32) {
    %c0_i32 = arith.constant 0 : i32
    %c0_i32_0 = arith.constant 0 : i32
    %c0_i32_1 = arith.constant 0 : i32
    return %c0_i32, %c0_i32_0 : i32, i32
  }
  func.func @transform_3(%arg0: i32) -> (i32, i32) {
    %c0_i32 = arith.constant 0 : i32
    %c0_i32_0 = arith.constant 0 : i32
    %c0_i32_1 = arith.constant 0 : i32
    return %c0_i32, %c0_i32_0 : i32, i32
  }
  func.func @transform_4(%arg0: i32) -> (i32, i32) {
    %c0_i32 = arith.constant 0 : i32
    %c0_i32_0 = arith.constant 0 : i32
    %c0_i32_1 = arith.constant 0 : i32
    return %c0_i32, %c0_i32_0 : i32, i32
  }
  func.func @transform_5(%arg0: i32) -> (i32, i32) {
    %c0_i32 = arith.constant 0 : i32
    %c0_i32_0 = arith.constant 0 : i32
    %c0_i32_1 = arith.constant 0 : i32
    return %c0_i32, %c0_i32_0 : i32, i32
  }
  func.func @transform_6(%arg0: i32) -> (i32, i32) {
    %c0_i32 = arith.constant 0 : i32
    %c0_i32_0 = arith.constant 0 : i32
    %c0_i32_1 = arith.constant 0 : i32
    return %c0_i32, %c0_i32_0 : i32, i32
  }
  func.func @transform_7(%arg0: i32) -> (i32, i32) {
    %c0_i32 = arith.constant 0 : i32
    %c0_i32_0 = arith.constant 0 : i32
    %c0_i32_1 = arith.constant 0 : i32
    return %c0_i32, %c0_i32_0 : i32, i32
  }
  func.func @transform_8(%arg0: i32) -> (i32, i32) {
    %c0_i32 = arith.constant 0 : i32
    %c0_i32_0 = arith.constant 0 : i32
    %c0_i32_1 = arith.constant 0 : i32
    return %c0_i32, %c0_i32_0 : i32, i32
  }
  func.func @transform_9(%arg0: i32) -> (i32, i32) {
    %c0_i32 = arith.constant 0 : i32
    %c0_i32_0 = arith.constant 0 : i32
    %c0_i32_1 = arith.constant 0 : i32
    return %c0_i32, %c0_i32_0 : i32, i32
  }
  func.func @transform_10(%arg0: i32) -> (i32, i32) {
    %c0_i32 = arith.constant 0 : i32
    %c0_i32_0 = arith.constant 0 : i32
    %c0_i32_1 = arith.constant 0 : i32
    return %c0_i32, %c0_i32_0 : i32, i32
  }
  func.func @transform_11(%arg0: i32) -> (i32, i32) {
    %c0_i32 = arith.constant 0 : i32
    %c0_i32_0 = arith.constant 0 : i32
    %c0_i32_1 = arith.constant 0 : i32
    return %c0_i32, %c0_i32_0 : i32, i32
  }
  func.func @transform_12(%arg0: i32) -> (i32, i32) {
    %c0_i32 = arith.constant 0 : i32
    %c0_i32_0 = arith.constant 0 : i32
    %c0_i32_1 = arith.constant 0 : i32
    return %c0_i32, %c0_i32_0 : i32, i32
  }
  func.func @transform_13(%arg0: i32) -> (i32, i32) {
    %c0_i32 = arith.constant 0 : i32
    %c0_i32_0 = arith.constant 0 : i32
    return %arg0, %c0_i32 : i32, i32
  }
  func.func @transform_14(%arg0: i32) -> (i32, i32) {
    %c0_i32 = arith.constant 0 : i32
    %c0_i32_0 = arith.constant 0 : i32
    return %arg0, %c0_i32 : i32, i32
  }
  func.func @transform_15(%arg0: i32) -> (i32, i32) {
    %c0_i32 = arith.constant 0 : i32
    %c0_i32_0 = arith.constant 0 : i32
    return %arg0, %c0_i32 : i32, i32
  }
}

module attributes {stable_mosaic.version = 14 : i64} {
  func.func @_edge_body(%arg0: i32, %arg1: memref<3200x128xf32, #tpu.memory_space<vmem>>, %arg2: memref<3200x128xf32, #tpu.memory_space<vmem>>, %arg3: memref<3200x128xf32, #tpu.memory_space<vmem>>, %arg4: memref<3200x128xf32, #tpu.memory_space<vmem>>, %arg5: memref<128x128xf32, #tpu.memory_space<vmem>>, %arg6: memref<128x128xf32, #tpu.memory_space<vmem>>, %arg7: memref<1x128xf32, #tpu.memory_space<vmem>>, %arg8: memref<1x128xf32, #tpu.memory_space<vmem>>, %arg9: memref<128x8xf32, #tpu.memory_space<vmem>>, %arg10: memref<1x8xf32, #tpu.memory_space<vmem>>, %arg11: memref<128x8xf32, #tpu.memory_space<vmem>>, %arg12: memref<8x128xf32, #tpu.memory_space<vmem>>, %arg13: memref<3200x128xf32, #tpu.memory_space<vmem>>, %arg14: memref<3200x128xf32, #tpu.memory_space<vmem>>, %arg15: memref<3200x128xf32, #tpu.memory_space<vmem>>) attributes {dimension_semantics = [#tpu.dimension_semantics<arbitrary>], iteration_bounds = array<i64: 100>, scalar_prefetch = 0 : i64, scratch_operands = 0 : i64, tpu.core_type = #tpu.core_type<tc>, window_params = [{transform_indices = @transform_0, window_bounds = array<i64: 3200, 128>}, {transform_indices = @transform_1, window_bounds = array<i64: 3200, 128>}, {transform_indices = @transform_2, window_bounds = array<i64: 3200, 128>}, {transform_indices = @transform_3, window_bounds = array<i64: 3200, 128>}, {pipeline_mode = #tpu.pipeline_mode<synchronous>, transform_indices = @transform_4, window_bounds = array<i64: 128, 128>}, {pipeline_mode = #tpu.pipeline_mode<synchronous>, transform_indices = @transform_5, window_bounds = array<i64: 128, 128>}, {pipeline_mode = #tpu.pipeline_mode<synchronous>, transform_indices = @transform_6, window_bounds = array<i64: 1, 128>}, {pipeline_mode = #tpu.pipeline_mode<synchronous>, transform_indices = @transform_7, window_bounds = array<i64: 1, 128>}, {pipeline_mode = #tpu.pipeline_mode<synchronous>, transform_indices = @transform_8, window_bounds = array<i64: 128, 8>}, {pipeline_mode = #tpu.pipeline_mode<synchronous>, transform_indices = @transform_9, window_bounds = array<i64: 1, 8>}, {pipeline_mode = #tpu.pipeline_mode<synchronous>, transform_indices = @transform_10, window_bounds = array<i64: 128, 8>}, {pipeline_mode = #tpu.pipeline_mode<synchronous>, transform_indices = @transform_11, window_bounds = array<i64: 8, 128>}, {transform_indices = @transform_12, window_bounds = array<i64: 3200, 128>}, {transform_indices = @transform_13, window_bounds = array<i64: 3200, 128>}, {transform_indices = @transform_14, window_bounds = array<i64: 3200, 128>}]} {
    %get3A = arith.constant 0 : index
    %get3A_0 = arith.constant 0 : index
    %get3A_1 = vector.load %arg1[%get3A, %get3A_0] : memref<3200x128xf32, #tpu.memory_space<vmem>>, vector<3200x128xf32>
    %get3A_2 = arith.constant 0 : index
    %get3A_3 = arith.constant 0 : index
    %get3A_4 = vector.load %arg2[%get3A_2, %get3A_3] : memref<3200x128xf32, #tpu.memory_space<vmem>>, vector<3200x128xf32>
    %get3A_5 = arith.constant 0 : index
    %get3A_6 = arith.constant 0 : index
    %get3A_7 = vector.load %arg3[%get3A_5, %get3A_6] : memref<3200x128xf32, #tpu.memory_space<vmem>>, vector<3200x128xf32>
    %get3A_8 = arith.constant 0 : index
    %get3A_9 = arith.constant 0 : index
    %get3A_10 = vector.load %arg5[%get3A_8, %get3A_9] : memref<128x128xf32, #tpu.memory_space<vmem>>, vector<128x128xf32>
    %dot_general3A = arith.constant dense<0.000000e+00> : vector<3200x128xf32>
    %dot_general3A_11 = tpu.matmul %get3A_1, %get3A_10, %dot_general3A {dimension_numbers = #tpu.dot_dimension_numbers<[1], [0], [0], [1], [0, 0, 1, 1], [], []>, transpose_lhs_hint = false} : vector<3200x128xf32>, vector<128x128xf32>, vector<3200x128xf32> -> vector<3200x128xf32>
    %get3A_12 = arith.constant 0 : index
    %get3A_13 = arith.constant 0 : index
    %get3A_14 = vector.load %arg7[%get3A_12, %get3A_13] : memref<1x128xf32, #tpu.memory_space<vmem>>, vector<1x128xf32>
    %add3A = vector.broadcast %get3A_14 : vector<1x128xf32> to vector<3200x128xf32>
    %add3A_15 = arith.addf %dot_general3A_11, %add3A : vector<3200x128xf32>
    %get3A_16 = arith.constant 0 : index
    %get3A_17 = arith.constant 0 : index
    %get3A_18 = vector.load %arg6[%get3A_16, %get3A_17] : memref<128x128xf32, #tpu.memory_space<vmem>>, vector<128x128xf32>
    %dot_general3A_19 = arith.constant dense<0.000000e+00> : vector<3200x128xf32>
    %dot_general3A_20 = tpu.matmul %get3A_1, %get3A_18, %dot_general3A_19 {dimension_numbers = #tpu.dot_dimension_numbers<[1], [0], [0], [1], [0, 0, 1, 1], [], []>, transpose_lhs_hint = false} : vector<3200x128xf32>, vector<128x128xf32>, vector<3200x128xf32> -> vector<3200x128xf32>
    %get3A_21 = arith.constant 0 : index
    %get3A_22 = arith.constant 0 : index
    %get3A_23 = vector.load %arg8[%get3A_21, %get3A_22] : memref<1x128xf32, #tpu.memory_space<vmem>>, vector<1x128xf32>
    %add3A_24 = vector.broadcast %get3A_23 : vector<1x128xf32> to vector<3200x128xf32>
    %add3A_25 = arith.addf %dot_general3A_20, %add3A_24 : vector<3200x128xf32>
    %get3A_26 = arith.constant 0 : index
    %get3A_27 = arith.constant 0 : index
    %get3A_28 = vector.load %arg9[%get3A_26, %get3A_27] : memref<128x8xf32, #tpu.memory_space<vmem>>, vector<128x8xf32>
    %dot_general3A_29 = arith.constant dense<0.000000e+00> : vector<3200x8xf32>
    %dot_general3A_30 = tpu.matmul %get3A_1, %get3A_28, %dot_general3A_29 {dimension_numbers = #tpu.dot_dimension_numbers<[1], [0], [0], [1], [0, 0, 1, 1], [], []>, transpose_lhs_hint = false} : vector<3200x128xf32>, vector<128x8xf32>, vector<3200x8xf32> -> vector<3200x8xf32>
    %get3A_31 = arith.constant 0 : index
    %get3A_32 = arith.constant 0 : index
    %get3A_33 = vector.load %arg10[%get3A_31, %get3A_32] : memref<1x8xf32, #tpu.memory_space<vmem>>, vector<1x8xf32>
    %add3A_34 = vector.broadcast %get3A_33 : vector<1x8xf32> to vector<3200x8xf32>
    %add3A_35 = arith.addf %dot_general3A_30, %add3A_34 : vector<3200x8xf32>
    %mul3A = arith.mulf %get3A_7, %get3A_4 : vector<3200x128xf32>
    %get3A_36 = arith.constant 0 : index
    %get3A_37 = arith.constant 0 : index
    %get3A_38 = vector.load %arg11[%get3A_36, %get3A_37] : memref<128x8xf32, #tpu.memory_space<vmem>>, vector<128x8xf32>
    %dot_general3A_39 = arith.constant dense<0.000000e+00> : vector<3200x8xf32>
    %dot_general3A_40 = tpu.matmul %mul3A, %get3A_38, %dot_general3A_39 {dimension_numbers = #tpu.dot_dimension_numbers<[1], [0], [0], [1], [0, 0, 1, 1], [], []>, transpose_lhs_hint = false} : vector<3200x128xf32>, vector<128x8xf32>, vector<3200x8xf32> -> vector<3200x8xf32>
    %add3A_41 = arith.addf %dot_general3A_40, %add3A_35 : vector<3200x8xf32>
    %jit3A = arith.constant -5.000000e+00 : f32
    %jit3A_42 = arith.constant 5.000000e+00 : f32
    %max3A = vector.broadcast %jit3A : f32 to vector<3200x8xf32>
    %max3A_43 = arith.maximumf %max3A, %add3A_41 : vector<3200x8xf32>
    %min3A = vector.broadcast %jit3A_42 : f32 to vector<3200x8xf32>
    %min3A_44 = arith.minimumf %min3A, %max3A_43 : vector<3200x8xf32>
    %exp3A = math.exp %min3A_44 : vector<3200x8xf32>
    %add3A_45 = arith.addf %get3A_4, %get3A_7 : vector<3200x128xf32>
    %mul3A_46 = arith.mulf %add3A_45, %add3A_15 : vector<3200x128xf32>
    %sign3A = tpu.bitcast %mul3A_46 : vector<3200x128xf32> -> vector<3200x128xi32>
    %sign3A_47 = arith.constant -2147483648 : i32
    %sign3A_48 = vector.broadcast %sign3A_47 : i32 to vector<3200x128xi32>
    %sign3A_49 = arith.andi %sign3A, %sign3A_48 : vector<3200x128xi32>
    %sign3A_50 = arith.constant 1065353216 : i32
    %sign3A_51 = vector.broadcast %sign3A_50 : i32 to vector<3200x128xi32>
    %sign3A_52 = arith.ori %sign3A_51, %sign3A_49 : vector<3200x128xi32>
    %sign3A_53 = tpu.bitcast %sign3A_52 : vector<3200x128xi32> -> vector<3200x128xf32>
    %sign3A_54 = math.absf %mul3A_46 : vector<3200x128xf32>
    %sign3A_55 = arith.constant 0.000000e+00 : f32
    %sign3A_56 = vector.broadcast %sign3A_55 : f32 to vector<3200x128xf32>
    %sign3A_57 = arith.cmpf ogt, %sign3A_54, %sign3A_56 : vector<3200x128xf32>
    %sign3A_58 = arith.select %sign3A_57, %sign3A_53, %mul3A_46 : vector<3200x128xi1>, vector<3200x128xf32>
    %abs3A = math.absf %mul3A_46 : vector<3200x128xf32>
    %sqrt3A = math.sqrt %abs3A : vector<3200x128xf32>
    %mul3A_59 = arith.mulf %sign3A_58, %sqrt3A : vector<3200x128xf32>
    %add3A_60 = arith.addf %mul3A_59, %add3A_25 : vector<3200x128xf32>
    %swap3A = arith.constant 0 : index
    %swap3A_61 = arith.constant 0 : index
    %swap3A_62 = vector.load %arg13[%swap3A, %swap3A_61] : memref<3200x128xf32, #tpu.memory_space<vmem>>, vector<3200x128xf32>
    tpu.vector_store %arg13[%swap3A, %swap3A_61], %add3A_60 {strides = array<i32>} : memref<3200x128xf32, #tpu.memory_space<vmem>>, vector<3200x128xf32>,
    %get3A_63 = arith.constant 0 : index
    %get3A_64 = arith.constant 0 : index
    %get3A_65 = vector.load %arg12[%get3A_63, %get3A_64] : memref<8x128xf32, #tpu.memory_space<vmem>>, vector<8x128xf32>
    %dot_general3A_66 = arith.constant dense<0.000000e+00> : vector<3200x128xf32>
    %dot_general3A_67 = tpu.matmul %exp3A, %get3A_65, %dot_general3A_66 {dimension_numbers = #tpu.dot_dimension_numbers<[1], [0], [0], [1], [0, 0, 1, 1], [], []>, transpose_lhs_hint = false} : vector<3200x8xf32>, vector<8x128xf32>, vector<3200x128xf32> -> vector<3200x128xf32>
    %get3A_68 = arith.constant 0 : index
    %get3A_69 = arith.constant 0 : index
    %get3A_70 = vector.load %arg4[%get3A_68, %get3A_69] : memref<3200x128xf32, #tpu.memory_space<vmem>>, vector<3200x128xf32>
    %mul3A_71 = arith.mulf %get3A_70, %dot_general3A_67 : vector<3200x128xf32>
    %swap3A_72 = arith.constant 0 : index
    %swap3A_73 = arith.constant 0 : index
    %swap3A_74 = vector.load %arg14[%swap3A_72, %swap3A_73] : memref<3200x128xf32, #tpu.memory_space<vmem>>, vector<3200x128xf32>
    tpu.vector_store %arg14[%swap3A_72, %swap3A_73], %mul3A_71 {strides = array<i32>} : memref<3200x128xf32, #tpu.memory_space<vmem>>, vector<3200x128xf32>,
    %swap3A_75 = arith.constant 0 : index
    %swap3A_76 = arith.constant 0 : index
    %swap3A_77 = vector.load %arg15[%swap3A_75, %swap3A_76] : memref<3200x128xf32, #tpu.memory_space<vmem>>, vector<3200x128xf32>
    tpu.vector_store %arg15[%swap3A_75, %swap3A_76], %dot_general3A_67 {strides = array<i32>} : memref<3200x128xf32, #tpu.memory_space<vmem>>, vector<3200x128xf32>,
    return
  }
  func.func @transform_0(%arg0: i32) -> (i32, i32) {
    %c0_i32 = arith.constant 0 : i32
    %c0_i32_0 = arith.constant 0 : i32
    return %arg0, %c0_i32 : i32, i32
  }
  func.func @transform_1(%arg0: i32) -> (i32, i32) {
    %c0_i32 = arith.constant 0 : i32
    %c0_i32_0 = arith.constant 0 : i32
    return %arg0, %c0_i32 : i32, i32
  }
  func.func @transform_2(%arg0: i32) -> (i32, i32) {
    %c0_i32 = arith.constant 0 : i32
    %c0_i32_0 = arith.constant 0 : i32
    return %arg0, %c0_i32 : i32, i32
  }
  func.func @transform_3(%arg0: i32) -> (i32, i32) {
    %c0_i32 = arith.constant 0 : i32
    %c0_i32_0 = arith.constant 0 : i32
    return %arg0, %c0_i32 : i32, i32
  }
  func.func @transform_4(%arg0: i32) -> (i32, i32) {
    %c0_i32 = arith.constant 0 : i32
    %c0_i32_0 = arith.constant 0 : i32
    %c0_i32_1 = arith.constant 0 : i32
    return %c0_i32, %c0_i32_0 : i32, i32
  }
  func.func @transform_5(%arg0: i32) -> (i32, i32) {
    %c0_i32 = arith.constant 0 : i32
    %c0_i32_0 = arith.constant 0 : i32
    %c0_i32_1 = arith.constant 0 : i32
    return %c0_i32, %c0_i32_0 : i32, i32
  }
  func.func @transform_6(%arg0: i32) -> (i32, i32) {
    %c0_i32 = arith.constant 0 : i32
    %c0_i32_0 = arith.constant 0 : i32
    %c0_i32_1 = arith.constant 0 : i32
    return %c0_i32, %c0_i32_0 : i32, i32
  }
  func.func @transform_7(%arg0: i32) -> (i32, i32) {
    %c0_i32 = arith.constant 0 : i32
    %c0_i32_0 = arith.constant 0 : i32
    %c0_i32_1 = arith.constant 0 : i32
    return %c0_i32, %c0_i32_0 : i32, i32
  }
  func.func @transform_8(%arg0: i32) -> (i32, i32) {
    %c0_i32 = arith.constant 0 : i32
    %c0_i32_0 = arith.constant 0 : i32
    %c0_i32_1 = arith.constant 0 : i32
    return %c0_i32, %c0_i32_0 : i32, i32
  }
  func.func @transform_9(%arg0: i32) -> (i32, i32) {
    %c0_i32 = arith.constant 0 : i32
    %c0_i32_0 = arith.constant 0 : i32
    %c0_i32_1 = arith.constant 0 : i32
    return %c0_i32, %c0_i32_0 : i32, i32
  }
  func.func @transform_10(%arg0: i32) -> (i32, i32) {
    %c0_i32 = arith.constant 0 : i32
    %c0_i32_0 = arith.constant 0 : i32
    %c0_i32_1 = arith.constant 0 : i32
    return %c0_i32, %c0_i32_0 : i32, i32
  }
  func.func @transform_11(%arg0: i32) -> (i32, i32) {
    %c0_i32 = arith.constant 0 : i32
    %c0_i32_0 = arith.constant 0 : i32
    %c0_i32_1 = arith.constant 0 : i32
    return %c0_i32, %c0_i32_0 : i32, i32
  }
  func.func @transform_12(%arg0: i32) -> (i32, i32) {
    %c0_i32 = arith.constant 0 : i32
    %c0_i32_0 = arith.constant 0 : i32
    return %arg0, %c0_i32 : i32, i32
  }
  func.func @transform_13(%arg0: i32) -> (i32, i32) {
    %c0_i32 = arith.constant 0 : i32
    %c0_i32_0 = arith.constant 0 : i32
    return %arg0, %c0_i32 : i32, i32
  }
  func.func @transform_14(%arg0: i32) -> (i32, i32) {
    %c0_i32 = arith.constant 0 : i32
    %c0_i32_0 = arith.constant 0 : i32
    return %arg0, %c0_i32 : i32, i32
  }
}

module attributes {stable_mosaic.version = 14 : i64} {
  func.func @_final_body(%arg0: i32, %arg1: memref<2x2048x128xf32, #tpu.memory_space<vmem>>, %arg2: memref<2x2048x128xf32, #tpu.memory_space<vmem>>, %arg3: memref<2048x128xf32, #tpu.memory_space<vmem>>) attributes {dimension_semantics = [#tpu.dimension_semantics<arbitrary>], iteration_bounds = array<i64: 5>, scalar_prefetch = 0 : i64, scratch_operands = 0 : i64, tpu.core_type = #tpu.core_type<tc>, window_params = [{transform_indices = @transform_0, window_bounds = array<i64: 2, 2048, 128>}, {transform_indices = @transform_1, window_bounds = array<i64: 2, 2048, 128>}, {transform_indices = @transform_2, window_bounds = array<i64: 2048, 128>}]} {
    %get3A = arith.constant 0 : index
    %get3A_0 = arith.constant 0 : index
    %get3A_1 = arith.constant 0 : index
    %get3A_2 = vector.load %arg1[%get3A, %get3A_0, %get3A_1] : memref<2x2048x128xf32, #tpu.memory_space<vmem>>, vector<1x2048x128xf32>
    %get3A_3 = vector.shape_cast %get3A_2 : vector<1x2048x128xf32> to vector<2048x128xf32>
    %get3A_4 = arith.constant 1 : index
    %get3A_5 = arith.constant 0 : index
    %get3A_6 = arith.constant 0 : index
    %get3A_7 = vector.load %arg1[%get3A_4, %get3A_5, %get3A_6] : memref<2x2048x128xf32, #tpu.memory_space<vmem>>, vector<1x2048x128xf32>
    %get3A_8 = vector.shape_cast %get3A_7 : vector<1x2048x128xf32> to vector<2048x128xf32>
    %add3A = arith.addf %get3A_3, %get3A_8 : vector<2048x128xf32>
    %get3A_9 = arith.constant 0 : index
    %get3A_10 = arith.constant 0 : index
    %get3A_11 = arith.constant 0 : index
    %get3A_12 = vector.load %arg2[%get3A_9, %get3A_10, %get3A_11] : memref<2x2048x128xf32, #tpu.memory_space<vmem>>, vector<1x2048x128xf32>
    %get3A_13 = vector.shape_cast %get3A_12 : vector<1x2048x128xf32> to vector<2048x128xf32>
    %get3A_14 = arith.constant 1 : index
    %get3A_15 = arith.constant 0 : index
    %get3A_16 = arith.constant 0 : index
    %get3A_17 = vector.load %arg2[%get3A_14, %get3A_15, %get3A_16] : memref<2x2048x128xf32, #tpu.memory_space<vmem>>, vector<1x2048x128xf32>
    %get3A_18 = vector.shape_cast %get3A_17 : vector<1x2048x128xf32> to vector<2048x128xf32>
    %add3A_19 = arith.addf %get3A_13, %get3A_18 : vector<2048x128xf32>
    %add3A_20 = arith.constant 1.000000e-16 : f32
    %add3A_21 = vector.broadcast %add3A_20 : f32 to vector<2048x128xf32>
    %add3A_22 = arith.addf %add3A_19, %add3A_21 : vector<2048x128xf32>
    %div3A = arith.divf %add3A, %add3A_22 : vector<2048x128xf32>
    %swap3A = arith.constant 0 : index
    %swap3A_23 = arith.constant 0 : index
    %swap3A_24 = vector.load %arg3[%swap3A, %swap3A_23] : memref<2048x128xf32, #tpu.memory_space<vmem>>, vector<2048x128xf32>
    tpu.vector_store %arg3[%swap3A, %swap3A_23], %div3A {strides = array<i32>} : memref<2048x128xf32, #tpu.memory_space<vmem>>, vector<2048x128xf32>,
    return
  }
  func.func @transform_0(%arg0: i32) -> (i32, i32, i32) {
    %c0_i32 = arith.constant 0 : i32
    %c0_i32_0 = arith.constant 0 : i32
    %c0_i32_1 = arith.constant 0 : i32
    return %c0_i32, %arg0, %c0_i32_0 : i32, i32, i32
  }
  func.func @transform_1(%arg0: i32) -> (i32, i32, i32) {
    %c0_i32 = arith.constant 0 : i32
    %c0_i32_0 = arith.constant 0 : i32
    %c0_i32_1 = arith.constant 0 : i32
    return %c0_i32, %arg0, %c0_i32_0 : i32, i32, i32
  }
  func.func @transform_2(%arg0: i32) -> (i32, i32) {
    %c0_i32 = arith.constant 0 : i32
    %c0_i32_0 = arith.constant 0 : i32
    return %arg0, %c0_i32 : i32, i32
  }
}

</mosaic_0001>

<sc_bundles>
// kernel: kernel.10.cloned.1.call-start
scs
__scs_entry_jumppad:
0x0: {  	(pc) =	sbr.rel $0x88, $3  }
0x1: {  	(tag) =	ssettag $0x0;
	lr =	simm.s32 $0x1  }
0x2: {  	[smem:$0x3F92] =	sst lr;
	_ =	strace $0xD0000000  }
0x3: {  	_ = 	snop  }
0x4: {  	_ = 	snop  }
0x5: {  	_ = 	snop  }
0x6: {  	_ = 	snop  }
0x7: {  	_ = 	snop  }
__scs_overlays_trampoline_lowered:
0x8: {  	[smem:$0x3FA1] =	sst s0  }
0x9: {  	[smem:$0x3FA2] =	sst s1  }
0xa: {  	[smem:$0x3FA3] =	sst s2  }
0xb: {  	[smem:$0x3FA4] =	sst s3  }
0xc: {  	[smem:$0x3FA5] =	sst s4  }
0xd: {  	[smem:$0x3FA6] =	sst s5  }
0xe: {  	[smem:$0x3FA7] =	sst s6  }
0xf: {  	[smem:$0x3FA8] =	sst s7  }
0x10: {  	[smem:$0x3FA9] =	sst s8  }
0x11: {  	[smem:$0x3FAA] =	sst s9;
	s0 =	simm.s32 @!p0 $0x0  }
0x12: {  	s1 =	sld [smem:$0x3F90];
	s0 =	simm.s32 @p0 $0x1  }
0x13: {  	[smem:$0x3FAB] =	sst s0;
	s0 =	simm.s32 @!p1 $0x0  }
0x14: {  	s2 =	sld [smem:$0x3F8F];
	s0 =	simm.s32 @p1 $0x1  }
0x15: {  	[smem:$0x3FAC] =	sst s0;
	s0 =	simm.s32 @!p2 $0x0  }
0x16: {  	s3 =	sld [smem:$0x3FDB];
	s0 =	simm.s32 @p2 $0x1  }
0x17: {  	s4 =	simm.s32 $0x1BF5;
	[smem:$0x3FAE] =	sst s0  }
0x18: {  	s0 =	sld [smem:$0x3F91];
	_ =	swait.ge [sflag:s4], $0x0  }
0x19: {  	s7 =	sld [smem:$0x3F92]  }
0x1a: {  	s8 =	sadd.s32 $0xFFFFE003, lr  }
0x1b: {  	s9 =	sadd.s32 $0xFFFFFEF7, lr;
	s5 =	simm.s32 $0xFFFFFFFF;
	p2 =	slt.u32 s8, $0xFFFFF086  }
0x1c: {  	p1 =	slt.u32 s9, $0xF7A;
	s5 =	simm.s32 @!p2 $0x0  }
0x1d: {  	s5 =	simm.s32 @p1 $0x1;
	p0 =	seq.s32 s7, s2  }
0x1e: {  	s7 =	smul.u32 @!p0 $0xF7A, s2;
	p2 =	seq.s32 @!p0 s5, $0x0  }
0x1f: {  	s9 =	smul.u32 $0xF7A, s1;
	s8 =	simm.s32 @!p0 $0x1BF5;
	p2 =	por !p2, p0  }
0x20: {  	[sflag:s8] =	ssyncset.s32 @!p0 $0xFFFFF086;
	s6 =	sadd.s32 @!p0 s3, s7;
	s7 =	simm.s32 @!p0 $0x108  }
0x21: {  	s3 =	sadd.s32 s3, s9;
	s6 =	sadd.s32 @!p0 $0x88, s6;
	s7 =	simm.s32 @p2 $0x1082  }
0x22: {  	[simem:s7], [sflag:s8] =	dma.local @!p0 [hbm:s6], $0xF7A  }
0x23: {  	s9 =	sor.u32 $0xD0000000, s2;
	s6 =	simm.s32 $0x108;
	_ =	swait.ge @!p0 [sflag:s8], $0x0  }
0x24: {  	s3 =	sadd.s32 $0x88, s3;
	s6 =	simm.s32 @!p1 $0x1082;
	[sflag:s4] =	ssyncset.s32 $0xFFFFF086  }
0x25: {  	[simem:s6], [sflag:s4] =	dma.local [hbm:s3], $0xF7A  }
0x26: {  	[smem:$0x3F92] =	sst s1;
	(tag) =	ssettag s2;
	_ =	strace s9  }
0x27: {  	s1 =	sld [smem:$0x3FA2]  }
0x28: {  	s2 =	sld [smem:$0x3FA3]  }
0x29: {  	s4 =	sld [smem:$0x3FA5]  }
0x2a: {  	p0 =	seq.s32 s5, $0x0;
	s5 =	sld [smem:$0x3FA6]  }
0x2b: {  	s6 =	sld [smem:$0x3FA7]  }
0x2c: {  	s7 =	sld [smem:$0x3FA8]  }
0x2d: {  	s3 =	simm.s32 $0x108;
	s8 =	sld [smem:$0x3FA9]  }
0x2e: {  	s3 =	simm.s32 @!p0 $0x1082;
	s9 =	sld [smem:$0x3FAA]  }
0x2f: {  	lr =	sadd.s32 s0, s3;
	s0 =	sld [smem:$0x3FA1]  }
0x30: {  	s3 =	sld [smem:$0x3FA4]  }
0x31: {  	[smem:$0x3FAD] =	sst s10  }
0x32: {  	s10 =	sld [smem:$0x3FAB];
	_ =	sdelay $0x3  }
0x33: {  	p0 =	seq.s32 s10, $0x1;
	s10 =	sld [smem:$0x3FAD];
	_ =	sdelay $0x3  }
0x34: {  	[smem:$0x3FAD] =	sst s10  }
0x35: {  	s10 =	sld [smem:$0x3FAC];
	_ =	sdelay $0x3  }
0x36: {  	p1 =	seq.s32 s10, $0x1;
	s10 =	sld [smem:$0x3FAD];
	_ =	sdelay $0x3  }
0x37: {  	[smem:$0x3FAD] =	sst s10  }
0x38: {  	s10 =	sld [smem:$0x3FAE]  }
0x39: {  	_ = 	snop;
	(pc) =	sbr.ind lr, $3  }
0x3a: {  	_ = 	snop  }
0x3b: {  	_ = 	snop  }
0x3c: {  	p2 =	seq.s32 s10, $0x1;
	s10 =	sld [smem:$0x3FAD]  }
0x3d: {  	_ =	shalt  }
0x3e: {  	_ =	shalt  }
0x3f: {  	_ =	shalt  }
0x40: {  	_ =	shalt  }
0x41: {  	_ =	shalt  }
0x42: {  	_ =	shalt  }
0x43: {  	_ =	shalt  }
0x44: {  	_ =	shalt  }
0x45: {  	_ =	shalt  }
0x46: {  	_ =	shalt  }
0x47: {  	_ =	shalt  }
0x48: {  	_ =	shalt  }
0x49: {  	_ =	shalt  }
0x4a: {  	_ =	shalt  }
0x4b: {  	_ =	shalt  }
0x4c: {  	_ =	shalt  }
0x4d: {  	_ =	shalt  }
0x4e: {  	_ =	shalt  }
0x4f: {  	_ =	shalt  }
0x50: {  	_ =	shalt  }
0x51: {  	_ =	shalt  }
0x52: {  	_ =	shalt  }
0x53: {  	_ =	shalt  }
0x54: {  	_ =	shalt  }
0x55: {  	_ =	shalt  }
0x56: {  	_ =	shalt  }
0x57: {  	_ =	shalt  }
0x58: {  	_ =	shalt  }
0x59: {  	_ =	shalt  }
0x5a: {  	_ =	shalt  }
0x5b: {  	_ =	shalt  }
0x5c: {  	_ =	shalt  }
0x5d: {  	_ =	shalt  }
0x5e: {  	_ =	shalt  }
0x5f: {  	_ =	shalt  }
0x60: {  	_ =	shalt  }
0x61: {  	_ =	shalt  }
0x62: {  	_ =	shalt  }
0x63: {  	_ =	shalt  }
0x64: {  	_ =	shalt  }
0x65: {  	_ =	shalt  }
0x66: {  	_ =	shalt  }
0x67: {  	_ =	shalt  }
0x68: {  	_ =	shalt  }
0x69: {  	_ =	shalt  }
0x6a: {  	_ =	shalt  }
0x6b: {  	_ =	shalt  }
0x6c: {  	_ =	shalt  }
0x6d: {  	_ =	shalt  }
0x6e: {  	_ =	shalt  }
0x6f: {  	_ =	shalt  }
0x70: {  	_ =	shalt  }
0x71: {  	_ =	shalt  }
0x72: {  	_ =	shalt  }
0x73: {  	_ =	shalt  }
0x74: {  	_ =	shalt  }
0x75: {  	_ =	shalt  }
0x76: {  	_ =	shalt  }
0x77: {  	_ =	shalt  }
0x78: {  	_ =	shalt  }
0x79: {  	_ =	shalt  }
0x7a: {  	_ =	shalt  }
0x7b: {  	_ =	shalt  }
0x7c: {  	_ =	shalt  }
0x7d: {  	_ =	shalt  }
0x7e: {  	_ =	shalt  }
0x7f: {  	_ =	shalt  }
0x80: {  	_ =	shalt  }
0x81: {  	_ =	shalt  }
0x82: {  	_ =	shalt  }
0x83: {  	_ =	shalt  }
0x84: {  	_ =	shalt  }
0x85: {  	_ =	shalt  }
0x86: {  	_ =	shalt  }
0x87: {  	_ =	shalt  }
.Lfunc_end0:
.L_simem_size_0:
called_computation.1_lowered:
.L_overlay_start_0:
0x88: {  	s2 =	sld [smem:$0x3FD9]  }
0x89: {  	s3 =	sld [smem:$0x3FFE];
	_ =	sdelay $0x1  }
0x8a: {  	s1 =	srdreg.scid  }
0x8b: {  	s0 =	sand.u32 $0x1, s1  }
0x8c: {  	s14 =	sshll.u32 s0, $0xA;
	s2 =	sadd.s32 s3, s2  }
0x8d: {  	s2 =	sadd.s32 s2, s14  }
0x8e: {  	[smem:$0x3FB9] =	sst s2  }
0x8f: {  	_ = 	snop  }
0x90: {  	s2 =	sld [smem:$0x3FD0];
	_ =	sdelay $0x2  }
0x91: {  	s15 =	simm.s32 $0xA;
	s4 =	simm.s32 $0x10  }
0x92: {  	[smem:s4], [sflag:s15] =	dma.local [hbm:s2], $0x1  }
0x93: {  	_ =	swait.eq [sflag:s15], $0x1  }
0x94: {  	[sflag:s15] =	ssyncset.done $0x0  }
0x95: {  	[sflag:s15] =	ssyncadd.s32 $0xFFFFFFFF  }
0x96: {  	s16 =	sld [smem:$0x10];
	(tm) =	ssettm $0x1  }
0x97: {  	s17 =	sld [smem:$0x3FFB];
	_ =	sdelay $0x3  }
0x98: {  	_ =	strace s17  }
0x99: {  	s3 =	sld [smem:$0x3FFC];
	_ =	sdelay $0x3  }
0x9a: {  	_ =	strace s3  }
0x9b: {  	s3 =	sld [smem:$0x3FFD];
	_ =	sdelay $0x3  }
0x9c: {  	_ =	strace s3  }
0x9d: {  	_ =	strace $0x8FFFFFFF  }
0x9e: {  	s18 =	sld [smem:$0x3FDB];
	_ =	sdelay $0x1  }
0x9f: {  	s19 =	simm.s32 $_scs_section_size  }
0xa0: {  	s5 =	simm.s32 $_size__tile_overlayer_lowered;
	s6 =	simm.s32 $_tile_overlayer_lowered  }
0xa1: {  	s22 =	simm.s32 $0x1BFF;
	s21 =	sshll.u32 s6, $0x1;
	s3 =	sadd.s32 s19, s18  }
0xa2: {  	s7 =	simm.s32 $0x0;
	s20 =	sshll.u32 s5, $0x1;
	s5 =	sadd.s32 s21, s3  }
0xa3: {  	[timem:s7], [sflag:s22] =	dma.local [hbm:s5], s20  }
0xa4: {  	_ =	swait.ge [sflag:s22], s20  }
0xa5: {  	s4 =	ssub.s32 $0x0, s20;
	[sflag:s22] =	ssyncset.done $0x0  }
0xa6: {  	[sflag:s22] =	ssyncadd.s32 s4;
	_ =	sdelay $0x1  }
0xa7: {  	s23 =	simm.s32 $0x1B8B  }
0xa8: {  	_ =	swait.ge [sflag:s23], $0x1  }
0xa9: {  	[sflag:s23] =	ssyncset.done $0x0  }
0xaa: {  	s25 =	simm.s32 $0x1B8E;
	s24 =	sld [smem:$0x3FFE];
	[sflag:s23] =	ssyncadd.s32 $0xFFFFFFFF  }
0xab: {  	s26 =	simm.s32 $execute0_lowered;
	[smem:$0x3FD2] =	sst s25  }
0xac: {  	s5 =	sshll.u32 s26, $0x1;
	_ =	strace $0x80000049;
	[dreg:$0x1] =	wrdreg $0xFFFFFFFF  }
0xad: {  	s28 =	simm.s32 $_size_execute0_lowered;
	s3 =	sadd.s32 s3, s5;
	[dreg:$0x0] =	wrdreg $0x0  }
0xae: {  	s5 =	sshll.u32 s28, $0x1;
	[dreg:$0x2] =	wrdreg s3  }
0xaf: {  	[dreg:$0x3] =	wrdreg s5  }
0xb0: {  	[dreg:$0x4] =	wrdreg $0xC0  }
0xb1: {  	_ =	task [dreg:s7], $0x5FFFF  }
0xb2: {  	[dreg:$0x1] =	wrdreg $0xFFFFFFFF  }
0xb3: {  	[dreg:$0x0] =	wrdreg $0x60  }
0xb4: {  	[dreg:$0x2] =	wrdreg s24  }
0xb5: {  	[dreg:$0x3] =	wrdreg s16  }
0xb6: {  	[dreg:$0x4] =	wrdreg $0x90000  }
0xb7: {  	[dreg:$0x5] =	wrdreg $0x9  }
0xb8: {  	_ =	task.clear_ibuf [dreg:s7], $0x6FFFF;
	_ =	strace $0x90000049  }
0xb9: {  	s29 =	simm.s32 $0x9;
	_ =	strace $0x8000004B  }
0xba: {  	_ =	swait.ge [sflag:s29], $0x1  }
0xbb: {  	[sflag:s29] =	ssyncadd.s32 $0xFFFFFFFF  }
0xbc: {  	_ =	strace $0x9000004B  }
0xbd: {  	_ =	sfence  }
0xbe: {  	s30 =	sld [smem:$0x0];
	_ =	sdelay $0x2  }
0xbf: {  	s31 =	sshll.u32 s1, $0xD;
	s1 =	sshrl.u32 s1, $0x2  }
0xc0: {  	s3 =	sand.u32 $0x4000, s31;
	s1 =	sadd.s32 s1, s30  }
0xc1: {  	s0 =	sor.u32 s3, s0;
	s1 =	sshll.u32 s1, $0x11  }
0xc2: {  	s0 =	sor.u32 s1, s0  }
0xc3: {  	s0 =	sadd.s32 $0x8F2B, s0  }
0xc4: {  	[sflag:s0] =	ssyncadd.remote.s32 $0x1  }
0xc5: {  	_ =	sfence.sel $0xFFFF  }
0xc6: {  	[dreg:$0x0] =	wrdreg $0xFFFFFFFF;
	(pc) =	sbr.abs _section_cstart, $3  }
0xc7: {  	[dreg:$0x1] =	wrdreg $0xFFFFFFFF  }
0xc8: {  	_ =	task.clear_ibuf [dreg:s7], $0x2FFFF;
	_ =	strace $0x9FFFFFFF  }
0xc9: {  	(tm) =	ssettm $0x7FFFFFFF  }
tec
execute0_lowered:
.L_overlay_start_1:
0x0: {  	(tag) =	ssettag $0x1  }
0x1: {  	s0 =	srdreg.scid  }
0x2: {  	s21 =	stileid.u32;
	s9 =	rddreg [dreg:$0x0]  }
0x3: {  	s8 =	sand.u32 $0x1, s0;
	s7 =	smul.u32 $0x14000, s21;
	s10 =	sadd.s32 $0x14600, s9  }
0x4: {  	s25 =	sadd.s32 $0x64600, s9;
	s0 =	ssub.s32 $0x2, s8;
	s11 =	smul.u32 $0x140000, s8  }
0x5: {  	s1 =	sshrl.u32 s0, $0x1;
	s2 =	sadd.s32 $0x5000, s7;
	s3 =	sadd.s32 $0x7800, s7  }
0x6: {  	s4 =	sadd.s32 $0xA000, s7;
	s5 =	sadd.s32 $0xC800, s7;
	s6 =	sadd.s32 $0xF000, s7  }
0x7: {  	s0 =	ssub.s32 s0, s1;
	s1 =	sor.u32 $0x2800, s7;
	s12 =	sadd.s32 s11, s7  }
0x8: {  	s7 =	sadd.s32 $0x11800, s7;
	s15 =	sadd.s32 s11, s3;
	s12 =	sshrl.u32 s12, $0x3  }
0x9: {  	s16 =	sadd.s32 s11, s4;
	s15 =	sshrl.u32 s15, $0x3;
	s14 =	sadd.s32 s10, s12  }
0xa: {  	s16 =	sshrl.u32 s16, $0x3;
	s20 =	sadd.s32 s10, s15;
	[dreg:$0x4] =	wrdreg s14  }
0xb: {  	s13 =	sadd.s32 s11, s1;
	s22 =	sadd.s32 s10, s16;
	[dreg:$0x7] =	wrdreg s20  }
0xc: {  	s13 =	sshrl.u32 s13, $0x3;
	s12 =	sadd.s32 s25, s12;
	[dreg:$0x8] =	wrdreg s22  }
0xd: {  	s19 =	sadd.s32 s11, s2;
	s18 =	sadd.s32 s10, s13;
	[dreg:$0xc] =	wrdreg s12  }
0xe: {  	s14 =	sshrl.u32 s19, $0x3;
	s26 =	sadd.s32 s25, s13;
	[dreg:$0x5] =	wrdreg s18  }
0xf: {  	s23 =	sadd.s32 s11, s5;
	s17 =	sadd.s32 s10, s14;
	[dreg:$0xd] =	wrdreg s26  }
0x10: {  	s18 =	sadd.s32 s11, s6;
	s13 =	sadd.s32 s25, s14;
	[dreg:$0x6] =	wrdreg s17  }
0x11: {  	s11 =	sadd.s32 s11, s7;
	s14 =	sadd.s32 s25, s15;
	[dreg:$0xe] =	wrdreg s13  }
0x12: {  	s15 =	sadd.s32 s25, s16;
	s17 =	sshrl.u32 s23, $0x3;
	[dreg:$0xf] =	wrdreg s14  }
0x13: {  	s18 =	sshrl.u32 s18, $0x3;
	[dreg:$0x10] =	wrdreg s15;
	s19 =	sadd.s32 s10, s17  }
0x14: {  	s11 =	sshrl.u32 s11, $0x3;
	s24 =	sadd.s32 s10, s18;
	[dreg:$0x9] =	wrdreg s19  }
0x15: {  	s10 =	sadd.s32 s10, s11;
	[dreg:$0xa] =	wrdreg s24  }
0x16: {  	s22 =	sadd.s32 $0xEF1800, s9;
	s16 =	sadd.s32 s25, s17;
	[dreg:$0xb] =	wrdreg s10  }
0x17: {  	s23 =	smul.u32 $0x4E200, s21;
	s17 =	sadd.s32 s25, s18;
	[dreg:$0x11] =	wrdreg s16  }
0x18: {  	s18 =	sshll.u32 s21, $0x1;
	[dreg:$0x12] =	wrdreg s17;
	s16 =	simm.s32 $0x0  }
0x19: {  	s17 =	sadd.s32 s25, s11;
	s19 =	sor.u32 s8, s18;
	s8 =	smul.u32 $0x27100, s8  }
0x1a: {  	s24 =	sadd.s32 s23, s22;
	s25 =	smul.u32 $0x50000, s21;
	s20 =	sshll.u32 s19, $0xB  }
0x1b: {  	[smem:$0x7FF] =	sst s16;
	s10 =	smul.u32 $0x27100, s19;
	s11 =	sadd.s32 s20, s9  }
0x1c: {  	s9 =	sadd.s32 $0x13D3800, s9;
	s20 =	rddreg [dreg:$0x1];
	s26 =	sshrl.u32 s25, $0x2  }
0x1d: {  	s25 =	smax.u32 s0, $0x1;
	s18 =	sadd.s32 s22, s10;
	s19 =	sadd.s32 s9, s10  }
0x1e: {  	s9 =	sadd.s32 s23, s9;
	s10 =	sadd.s32 s8, s24;
	s22 =	rddreg [dreg:$0x2]  }
0x1f: {  	_ =	strace $0x8000004A;
	s23 =	sadd.s32 $0x4600, s11;
	s8 =	sadd.s32 s8, s9  }
0x20: {  	s24 =	sadd.s32 s26, s22;
	s26 =	sadd.s32 s1, s22;
	s28 =	sadd.s32 s2, s22  }
0x21: {  	s29 =	sadd.s32 s3, s22;
	s30 =	sadd.s32 s4, s22;
	s31 =	sadd.s32 s5, s22  }
0x22: {  	s21 =	sadd.s32 s6, s22;
	s0 =	sadd.s32 s7, s22;
	s1 =	sadd.s32 $0xA00, s10  }
0x23: {  	s3 =	simm.s32 $0x3;
	s4 =	simm.s32 $0x4000;
	s5 =	simm.s32 $0x6800  }
0x24: {  	s6 =	simm.s32 $0x1;
	s7 =	simm.s32 $0x50;
	s9 =	simm.s32 $0x3E00  }
0x25: {  	s10 =	simm.s32 $0x0;
	s2 =	sadd.s32 $0xA00, s8;
	s8 =	simm.s32 $0x2  }
.LBB2_1:
0x26: {  	[tilespmem:s16], [sflag:$0x3] =	stream.linear.gather [hbm4b:s23+s16], $0x3E80, $0x38;
	[tilespmem:$0x1D000] =	vst v63  }
0x27: {  	_ =	swait.ge [sflag:s3], $0x3E80  }
0x28: {  	[sflag:s3] =	ssyncset.done $0x0  }
0x29: {  	[sflag:s3] =	ssyncadd.s32 $0xFFFFC180  }
0x2a: {  	[tilespmem:s4], [sflag:$0x3] =	stream.linear.gather [hbm4b:s20+s16], $0x2800, $0x38;
	[tilespmem:$0x1D000] =	vst v63  }
0x2b: {  	_ =	swait.ge [sflag:s3], $0x2800  }
0x2c: {  	[sflag:s3] =	ssyncset.done $0x0  }
0x2d: {  	[sflag:s3] =	ssyncadd.s32 $0xFFFFD800  }
0x2e: {  	[spmem:s24] =	stream.linear.scatter [tilespmem:s4], [sflag:$0x3], $0x2800, $0x38;
	[tilespmem:$0x1D000] =	vst v63  }
0x2f: {  	_ =	swait.ge [sflag:s3], $0x2800  }
0x30: {  	[sflag:s3] =	ssyncset.done $0x0  }
0x31: {  	[sflag:s3] =	ssyncadd.s32 $0xFFFFD800  }
0x32: {  	[spmem:s26] =	stream.linear.scatter [tilespmem:s4], [sflag:$0x3], $0x2800, $0x38;
	[tilespmem:$0x1D000] =	vst v63  }
0x33: {  	_ =	swait.ge [sflag:s3], $0x2800  }
0x34: {  	[sflag:s3] =	ssyncset.done $0x0  }
0x35: {  	[sflag:s3] =	ssyncadd.s32 $0xFFFFD800  }
0x36: {  	[spmem:s28] =	stream.linear.scatter [tilespmem:s4], [sflag:$0x3], $0x2800, $0x38;
	[tilespmem:$0x1D000] =	vst v63  }
0x37: {  	_ =	swait.ge [sflag:s3], $0x2800  }
0x38: {  	[sflag:s3] =	ssyncset.done $0x0  }
0x39: {  	[sflag:s3] =	ssyncadd.s32 $0xFFFFD800  }
0x3a: {  	[spmem:s29] =	stream.linear.scatter [tilespmem:s4], [sflag:$0x3], $0x2800, $0x38;
	[tilespmem:$0x1D000] =	vst v63  }
0x3b: {  	_ =	swait.ge [sflag:s3], $0x2800  }
0x3c: {  	[sflag:s3] =	ssyncset.done $0x0  }
0x3d: {  	[sflag:s3] =	ssyncadd.s32 $0xFFFFD800  }
0x3e: {  	[spmem:s30] =	stream.linear.scatter [tilespmem:s4], [sflag:$0x3], $0x2800, $0x38;
	[tilespmem:$0x1D000] =	vst v63  }
0x3f: {  	_ =	swait.ge [sflag:s3], $0x2800  }
0x40: {  	[sflag:s3] =	ssyncset.done $0x0  }
0x41: {  	[sflag:s3] =	ssyncadd.s32 $0xFFFFD800  }
0x42: {  	[spmem:s31] =	stream.linear.scatter [tilespmem:s4], [sflag:$0x3], $0x2800, $0x38;
	[tilespmem:$0x1D000] =	vst v63  }
0x43: {  	_ =	swait.ge [sflag:s3], $0x2800  }
0x44: {  	[sflag:s3] =	ssyncset.done $0x0  }
0x45: {  	[sflag:s3] =	ssyncadd.s32 $0xFFFFD800  }
0x46: {  	[spmem:s21] =	stream.linear.scatter [tilespmem:s4], [sflag:$0x3], $0x2800, $0x38;
	[tilespmem:$0x1D000] =	vst v63  }
0x47: {  	_ =	swait.ge [sflag:s3], $0x2800  }
0x48: {  	[sflag:s3] =	ssyncset.done $0x0  }
0x49: {  	[sflag:s3] =	ssyncadd.s32 $0xFFFFD800  }
0x4a: {  	[spmem:s0] =	stream.linear.scatter [tilespmem:s4], [sflag:$0x3], $0x2800, $0x38;
	[tilespmem:$0x1D000] =	vst v63  }
0x4b: {  	_ =	swait.ge [sflag:s3], $0x2800  }
0x4c: {  	[sflag:s3] =	ssyncset.done $0x0  }
0x4d: {  	[sflag:s3] =	ssyncadd.s32 $0xFFFFD800  }
0x4e: {  	[bflag:$0x0] =	sbarrier.arrive $0xFFFF  }
0x4f: {  	[tilespmem:s4], [sflag:$0x1] =	stream.linear.gather [hbm4b:s18+s16], $0x2800, $0x38;
	[tilespmem:$0x1D000] =	vst v63  }
0x50: {  	s11 =	sadd.s32 $0xFFFFFB00, s1  }
0x51: {  	[tilespmem:s5], [sflag:$0x2] =	stream.linear.gather [hbm4b:s11+s16], $0x2800, $0x38;
	[tilespmem:$0x1D000] =	vst v63  }
0x52: {  	_ =	swait.ge [sflag:s6], $0x2800  }
0x53: {  	[sflag:s6] =	ssyncset.done $0x0  }
0x54: {  	s14 =	simm.s32 $0x0;
	[sflag:s6] =	ssyncadd.s32 $0xFFFFD800  }
0x55: {  	[spmem:s22] =	stream.indirect.scatter.add.f32 [tilespmem:s4], [sflag:$0x3], $0x80, s14, s7, $0xb8;
	[tilespmem:$0x1D000] =	vst v63  }
0x56: {  	_ =	swait.ge [sflag:s3], $0x2800  }
0x57: {  	[sflag:s3] =	ssyncset.done $0x0  }
0x58: {  	[sflag:s3] =	ssyncadd.s32 $0xFFFFD800  }
0x59: {  	[tilespmem:s4], [sflag:$0x1] =	stream.linear.gather [hbm4b:s1+s16], $0x2800, $0x38;
	[tilespmem:$0x1D000] =	vst v63  }
0x5a: {  	_ =	swait.ge [sflag:s8], $0x2800  }
0x5b: {  	[sflag:s8] =	ssyncset.done $0x0  }
0x5c: {  	s15 =	simm.s32 $0x80;
	[sflag:s8] =	ssyncadd.s32 $0xFFFFD800  }
0x5d: {  	[spmem:s22] =	stream.indirect.scatter.add.f32 [tilespmem:s5], [sflag:$0x3], $0x80, s15, s7, $0xb8;
	[tilespmem:$0x1D000] =	vst v63  }
0x5e: {  	s12 =	simm.s32 $0x400;
	_ =	swait.ge [sflag:s3], $0x2800  }
0x5f: {  	s13 =	simm.s32 $0x800;
	s11 =	sadd.s32 $0xA00, s1;
	[sflag:s3] =	ssyncset.done $0x0  }
.LBB2_2:
0x60: {  	p0 =	sne.s32 s13, $0xF400;
	s14 =	sadd.s32 $0xFFFFFB00, s11;
	[sflag:s3] =	ssyncadd.s32 $0xFFFFD800  }
0x61: {  	[tilespmem:s5], [sflag:$0x2] =	stream.linear.gather [hbm4b:s14+s16], $0x2800, $0x38;
	[tilespmem:$0x1D000] =	vst v63  }
0x62: {  	s14 =	smov.u32 s13;
	s13 =	sadd.s32 $0x400, s13;
	_ =	swait.ge [sflag:s6], $0x2800  }
0x63: {  	[sflag:s6] =	ssyncset.done $0x0  }
0x64: {  	s15 =	sshra.s32 s12, $0x2;
	s12 =	smov.u32 s14;
	[sflag:s6] =	ssyncadd.s32 $0xFFFFD800  }
0x65: {  	[spmem:s22] =	stream.indirect.scatter.add.f32 [tilespmem:s4], [sflag:$0x3], $0x80, s15, s7, $0xb8;
	[tilespmem:$0x1D000] =	vst v63  }
0x66: {  	_ =	swait.ge [sflag:s3], $0x2800  }
0x67: {  	[sflag:s3] =	ssyncset.done $0x0  }
0x68: {  	[sflag:s3] =	ssyncadd.s32 $0xFFFFD800  }
0x69: {  	[tilespmem:s4], [sflag:$0x1] =	stream.linear.gather [hbm4b:s11+s16], $0x2800, $0x38;
	[tilespmem:$0x1D000] =	vst v63  }
0x6a: {  	_ =	swait.ge [sflag:s8], $0x2800  }
.Ltmp0:
0x6b: {  	[sflag:s8] =	ssyncset.done $0x0;
	(pc) =	sbr.rel @p0 .LBB2_2-.Ltmp0, $4  }
0x6c: {  	s14 =	sadd.s32 $0x80, s15;
	[sflag:s8] =	ssyncadd.s32 $0xFFFFD800  }
0x6d: {  	[spmem:s22] =	stream.indirect.scatter.add.f32 [tilespmem:s5], [sflag:$0x3], $0x80, s14, s7, $0xb8;
	[tilespmem:$0x1D000] =	vst v63  }
0x6e: {  	_ =	swait.ge [sflag:s3], $0x2800  }
0x6f: {  	s11 =	sadd.s32 $0xA00, s11;
	[sflag:s3] =	ssyncset.done $0x0  }
0x70: {  	s13 =	sadd.s32 $0xFFFFFB00, s11;
	[sflag:s3] =	ssyncadd.s32 $0xFFFFD800  }
0x71: {  	[tilespmem:s5], [sflag:$0x2] =	stream.linear.gather [hbm4b:s13+s16], $0x2800, $0x38;
	[tilespmem:$0x1D000] =	vst v63  }
0x72: {  	_ =	swait.ge [sflag:s6], $0x2800  }
0x73: {  	[sflag:s6] =	ssyncset.done $0x0  }
0x74: {  	s12 =	sshra.s32 s12, $0x2;
	[sflag:s6] =	ssyncadd.s32 $0xFFFFD800  }
0x75: {  	[spmem:s22] =	stream.indirect.scatter.add.f32 [tilespmem:s4], [sflag:$0x3], $0x80, s12, s7, $0xb8;
	[tilespmem:$0x1D000] =	vst v63  }
0x76: {  	_ =	swait.ge [sflag:s3], $0x2800  }
0x77: {  	[sflag:s3] =	ssyncset.done $0x0  }
0x78: {  	[sflag:s3] =	ssyncadd.s32 $0xFFFFD800  }
0x79: {  	[tilespmem:s4], [sflag:$0x1] =	stream.linear.gather [hbm4b:s11+s16], $0x2800, $0x38;
	[tilespmem:$0x1D000] =	vst v63  }
0x7a: {  	_ =	swait.ge [sflag:s8], $0x2800  }
0x7b: {  	[sflag:s8] =	ssyncset.done $0x0  }
0x7c: {  	s13 =	sadd.s32 $0x80, s12;
	[sflag:s8] =	ssyncadd.s32 $0xFFFFD800  }
0x7d: {  	[spmem:s22] =	stream.indirect.scatter.add.f32 [tilespmem:s5], [sflag:$0x3], $0x80, s13, s7, $0xb8;
	[tilespmem:$0x1D000] =	vst v63  }
0x7e: {  	_ =	swait.ge [sflag:s3], $0x2800  }
0x7f: {  	[sflag:s3] =	ssyncset.done $0x0  }
0x80: {  	[sflag:s3] =	ssyncadd.s32 $0xFFFFD800  }
0x81: {  	_ =	swait.ge [sflag:s6], $0x2800  }
0x82: {  	[sflag:s6] =	ssyncset.done $0x0  }
0x83: {  	[sflag:s6] =	ssyncadd.s32 $0xFFFFD800  }
0x84: {  	[spmem:s22] =	stream.indirect.scatter.add.f32 [tilespmem:s4], [sflag:$0x3], $0x80, s9, s7, $0xb8;
	[tilespmem:$0x1D000] =	vst v63  }
0x85: {  	_ =	swait.ge [sflag:s3], $0x2800  }
0x86: {  	[sflag:s3] =	ssyncset.done $0x0  }
0x87: {  	[sflag:s3] =	ssyncadd.s32 $0xFFFFD800  }
0x88: {  	[bflag:$0x0] =	sbarrier.arrive $0xFFFF  }
0x89: {  	[tilespmem:s4], [sflag:$0x3] =	stream.linear.gather [spmem:s24], $0x2800, $0x38;
	[tilespmem:$0x1D000] =	vst v63  }
0x8a: {  	_ =	swait.ge [sflag:s3], $0x2800  }
0x8b: {  	[sflag:s3] =	ssyncset.done $0x0  }
0x8c: {  	s11 =	simm.s32 $0x0;
	s14 =	rddreg [dreg:$0x4];
	[sflag:s3] =	ssyncadd.s32 $0xFFFFD800  }
0x8d: {  	[hbm4b:s14+s11] =	stream.linear.scatter [tilespmem:s4], [sflag:$0x3], $0x2800, $0x38;
	[tilespmem:$0x1D000] =	vst v63  }
0x8e: {  	_ =	swait.ge [sflag:s3], $0x2800  }
0x8f: {  	[sflag:s3] =	ssyncset.done $0x0  }
0x90: {  	[sflag:s3] =	ssyncadd.s32 $0xFFFFD800  }
0x91: {  	[tilespmem:s4], [sflag:$0x3] =	stream.linear.gather [spmem:s26], $0x2800, $0x38;
	[tilespmem:$0x1D000] =	vst v63  }
0x92: {  	_ =	swait.ge [sflag:s3], $0x2800  }
0x93: {  	[sflag:s3] =	ssyncset.done $0x0  }
0x94: {  	s15 =	rddreg [dreg:$0x5];
	[sflag:s3] =	ssyncadd.s32 $0xFFFFD800  }
0x95: {  	[hbm4b:s15+s11] =	stream.linear.scatter [tilespmem:s4], [sflag:$0x3], $0x2800, $0x38;
	[tilespmem:$0x1D000] =	vst v63  }
0x96: {  	_ =	swait.ge [sflag:s3], $0x2800  }
0x97: {  	[sflag:s3] =	ssyncset.done $0x0  }
0x98: {  	[sflag:s3] =	ssyncadd.s32 $0xFFFFD800  }
0x99: {  	[tilespmem:s4], [sflag:$0x3] =	stream.linear.gather [spmem:s28], $0x2800, $0x38;
	[tilespmem:$0x1D000] =	vst v63  }
0x9a: {  	_ =	swait.ge [sflag:s3], $0x2800  }
0x9b: {  	[sflag:s3] =	ssyncset.done $0x0  }
0x9c: {  	s13 =	rddreg [dreg:$0x6];
	[sflag:s3] =	ssyncadd.s32 $0xFFFFD800  }
0x9d: {  	[hbm4b:s13+s11] =	stream.linear.scatter [tilespmem:s4], [sflag:$0x3], $0x2800, $0x38;
	[tilespmem:$0x1D000] =	vst v63  }
0x9e: {  	_ =	swait.ge [sflag:s3], $0x2800  }
0x9f: {  	[sflag:s3] =	ssyncset.done $0x0  }
0xa0: {  	[sflag:s3] =	ssyncadd.s32 $0xFFFFD800  }
0xa1: {  	[tilespmem:s4], [sflag:$0x3] =	stream.linear.gather [spmem:s29], $0x2800, $0x38;
	[tilespmem:$0x1D000] =	vst v63  }
0xa2: {  	_ =	swait.ge [sflag:s3], $0x2800  }
0xa3: {  	[sflag:s3] =	ssyncset.done $0x0  }
0xa4: {  	s14 =	rddreg [dreg:$0x7];
	[sflag:s3] =	ssyncadd.s32 $0xFFFFD800  }
0xa5: {  	[hbm4b:s14+s11] =	stream.linear.scatter [tilespmem:s4], [sflag:$0x3], $0x2800, $0x38;
	[tilespmem:$0x1D000] =	vst v63  }
0xa6: {  	_ =	swait.ge [sflag:s3], $0x2800  }
0xa7: {  	[sflag:s3] =	ssyncset.done $0x0  }
0xa8: {  	[sflag:s3] =	ssyncadd.s32 $0xFFFFD800  }
0xa9: {  	[tilespmem:s4], [sflag:$0x3] =	stream.linear.gather [spmem:s30], $0x2800, $0x38;
	[tilespmem:$0x1D000] =	vst v63  }
0xaa: {  	_ =	swait.ge [sflag:s3], $0x2800  }
0xab: {  	[sflag:s3] =	ssyncset.done $0x0  }
0xac: {  	s15 =	rddreg [dreg:$0x8];
	[sflag:s3] =	ssyncadd.s32 $0xFFFFD800  }
0xad: {  	[hbm4b:s15+s11] =	stream.linear.scatter [tilespmem:s4], [sflag:$0x3], $0x2800, $0x38;
	[tilespmem:$0x1D000] =	vst v63  }
0xae: {  	_ =	swait.ge [sflag:s3], $0x2800  }
0xaf: {  	[sflag:s3] =	ssyncset.done $0x0  }
0xb0: {  	[sflag:s3] =	ssyncadd.s32 $0xFFFFD800  }
0xb1: {  	[tilespmem:s4], [sflag:$0x3] =	stream.linear.gather [spmem:s31], $0x2800, $0x38;
	[tilespmem:$0x1D000] =	vst v63  }
0xb2: {  	_ =	swait.ge [sflag:s3], $0x2800  }
0xb3: {  	[sflag:s3] =	ssyncset.done $0x0  }
0xb4: {  	s13 =	rddreg [dreg:$0x9];
	[sflag:s3] =	ssyncadd.s32 $0xFFFFD800  }
0xb5: {  	[hbm4b:s13+s11] =	stream.linear.scatter [tilespmem:s4], [sflag:$0x3], $0x2800, $0x38;
	[tilespmem:$0x1D000] =	vst v63  }
0xb6: {  	_ =	swait.ge [sflag:s3], $0x2800  }
0xb7: {  	[sflag:s3] =	ssyncset.done $0x0  }
0xb8: {  	[sflag:s3] =	ssyncadd.s32 $0xFFFFD800  }
0xb9: {  	[tilespmem:s4], [sflag:$0x3] =	stream.linear.gather [spmem:s21], $0x2800, $0x38;
	[tilespmem:$0x1D000] =	vst v63  }
0xba: {  	_ =	swait.ge [sflag:s3], $0x2800  }
0xbb: {  	[sflag:s3] =	ssyncset.done $0x0  }
0xbc: {  	s14 =	rddreg [dreg:$0xa];
	[sflag:s3] =	ssyncadd.s32 $0xFFFFD800  }
0xbd: {  	[hbm4b:s14+s11] =	stream.linear.scatter [tilespmem:s4], [sflag:$0x3], $0x2800, $0x38;
	[tilespmem:$0x1D000] =	vst v63  }
0xbe: {  	_ =	swait.ge [sflag:s3], $0x2800  }
0xbf: {  	[sflag:s3] =	ssyncset.done $0x0  }
0xc0: {  	[sflag:s3] =	ssyncadd.s32 $0xFFFFD800  }
0xc1: {  	[tilespmem:s4], [sflag:$0x3] =	stream.linear.gather [spmem:s0], $0x2800, $0x38;
	[tilespmem:$0x1D000] =	vst v63  }
0xc2: {  	_ =	swait.ge [sflag:s3], $0x2800  }
0xc3: {  	[sflag:s3] =	ssyncset.done $0x0  }
0xc4: {  	s15 =	rddreg [dreg:$0xb];
	[sflag:s3] =	ssyncadd.s32 $0xFFFFD800  }
0xc5: {  	[hbm4b:s15+s11] =	stream.linear.scatter [tilespmem:s4], [sflag:$0x3], $0x2800, $0x38;
	[tilespmem:$0x1D000] =	vst v63  }
0xc6: {  	_ =	swait.ge [sflag:s3], $0x2800  }
0xc7: {  	[sflag:s3] =	ssyncset.done $0x0  }
0xc8: {  	[sflag:s3] =	ssyncadd.s32 $0xFFFFD800  }
0xc9: {  	[bflag:$0x0] =	sbarrier.arrive $0xFFFF  }
0xca: {  	[tilespmem:s4], [sflag:$0x3] =	stream.linear.gather [hbm4b:s20+s11], $0x2800, $0x38;
	[tilespmem:$0x1D000] =	vst v63  }
0xcb: {  	_ =	swait.ge [sflag:s3], $0x2800  }
0xcc: {  	[sflag:s3] =	ssyncset.done $0x0  }
0xcd: {  	[sflag:s3] =	ssyncadd.s32 $0xFFFFD800  }
0xce: {  	[spmem:s24] =	stream.linear.scatter [tilespmem:s4], [sflag:$0x3], $0x2800, $0x38;
	[tilespmem:$0x1D000] =	vst v63  }
0xcf: {  	_ =	swait.ge [sflag:s3], $0x2800  }
0xd0: {  	[sflag:s3] =	ssyncset.done $0x0  }
0xd1: {  	[sflag:s3] =	ssyncadd.s32 $0xFFFFD800  }
0xd2: {  	[spmem:s26] =	stream.linear.scatter [tilespmem:s4], [sflag:$0x3], $0x2800, $0x38;
	[tilespmem:$0x1D000] =	vst v63  }
0xd3: {  	_ =	swait.ge [sflag:s3], $0x2800  }
0xd4: {  	[sflag:s3] =	ssyncset.done $0x0  }
0xd5: {  	[sflag:s3] =	ssyncadd.s32 $0xFFFFD800  }
0xd6: {  	[spmem:s28] =	stream.linear.scatter [tilespmem:s4], [sflag:$0x3], $0x2800, $0x38;
	[tilespmem:$0x1D000] =	vst v63  }
0xd7: {  	_ =	swait.ge [sflag:s3], $0x2800  }
0xd8: {  	[sflag:s3] =	ssyncset.done $0x0  }
0xd9: {  	[sflag:s3] =	ssyncadd.s32 $0xFFFFD800  }
0xda: {  	[spmem:s29] =	stream.linear.scatter [tilespmem:s4], [sflag:$0x3], $0x2800, $0x38;
	[tilespmem:$0x1D000] =	vst v63  }
0xdb: {  	_ =	swait.ge [sflag:s3], $0x2800  }
0xdc: {  	[sflag:s3] =	ssyncset.done $0x0  }
0xdd: {  	[sflag:s3] =	ssyncadd.s32 $0xFFFFD800  }
0xde: {  	[spmem:s30] =	stream.linear.scatter [tilespmem:s4], [sflag:$0x3], $0x2800, $0x38;
	[tilespmem:$0x1D000] =	vst v63  }
0xdf: {  	_ =	swait.ge [sflag:s3], $0x2800  }
0xe0: {  	[sflag:s3] =	ssyncset.done $0x0  }
0xe1: {  	[sflag:s3] =	ssyncadd.s32 $0xFFFFD800  }
0xe2: {  	[spmem:s31] =	stream.linear.scatter [tilespmem:s4], [sflag:$0x3], $0x2800, $0x38;
	[tilespmem:$0x1D000] =	vst v63  }
0xe3: {  	_ =	swait.ge [sflag:s3], $0x2800  }
0xe4: {  	[sflag:s3] =	ssyncset.done $0x0  }
0xe5: {  	[sflag:s3] =	ssyncadd.s32 $0xFFFFD800  }
0xe6: {  	[spmem:s21] =	stream.linear.scatter [tilespmem:s4], [sflag:$0x3], $0x2800, $0x38;
	[tilespmem:$0x1D000] =	vst v63  }
0xe7: {  	_ =	swait.ge [sflag:s3], $0x2800  }
0xe8: {  	[sflag:s3] =	ssyncset.done $0x0  }
0xe9: {  	[sflag:s3] =	ssyncadd.s32 $0xFFFFD800  }
0xea: {  	[spmem:s0] =	stream.linear.scatter [tilespmem:s4], [sflag:$0x3], $0x2800, $0x38;
	[tilespmem:$0x1D000] =	vst v63  }
0xeb: {  	_ =	swait.ge [sflag:s3], $0x2800  }
0xec: {  	[sflag:s3] =	ssyncset.done $0x0  }
0xed: {  	[sflag:s3] =	ssyncadd.s32 $0xFFFFD800  }
0xee: {  	[bflag:$0x0] =	sbarrier.arrive $0xFFFF  }
0xef: {  	[tilespmem:s4], [sflag:$0x1] =	stream.linear.gather [hbm4b:s19+s11], $0x2800, $0x38;
	[tilespmem:$0x1D000] =	vst v63  }
0xf0: {  	s13 =	sadd.s32 $0xFFFFFB00, s2  }
0xf1: {  	[tilespmem:s5], [sflag:$0x2] =	stream.linear.gather [hbm4b:s13+s16], $0x2800, $0x38;
	[tilespmem:$0x1D000] =	vst v63  }
0xf2: {  	_ =	swait.ge [sflag:s6], $0x2800  }
0xf3: {  	[sflag:s6] =	ssyncset.done $0x0  }
0xf4: {  	s14 =	simm.s32 $0x0;
	[sflag:s6] =	ssyncadd.s32 $0xFFFFD800  }
0xf5: {  	[spmem:s22] =	stream.indirect.scatter.add.f32 [tilespmem:s4], [sflag:$0x3], $0x80, s14, s7, $0xb8;
	[tilespmem:$0x1D000] =	vst v63  }
0xf6: {  	_ =	swait.ge [sflag:s3], $0x2800  }
0xf7: {  	[sflag:s3] =	ssyncset.done $0x0  }
0xf8: {  	[sflag:s3] =	ssyncadd.s32 $0xFFFFD800  }
0xf9: {  	[tilespmem:s4], [sflag:$0x1] =	stream.linear.gather [hbm4b:s2+s16], $0x2800, $0x38;
	[tilespmem:$0x1D000] =	vst v63  }
0xfa: {  	_ =	swait.ge [sflag:s8], $0x2800  }
0xfb: {  	[sflag:s8] =	ssyncset.done $0x0  }
0xfc: {  	s15 =	simm.s32 $0x80;
	[sflag:s8] =	ssyncadd.s32 $0xFFFFD800  }
0xfd: {  	[spmem:s22] =	stream.indirect.scatter.add.f32 [tilespmem:s5], [sflag:$0x3], $0x80, s15, s7, $0xb8;
	[tilespmem:$0x1D000] =	vst v63  }
0xfe: {  	s12 =	simm.s32 $0x400;
	_ =	swait.ge [sflag:s3], $0x2800  }
0xff: {  	s11 =	sadd.s32 $0xA00, s2;
	s13 =	simm.s32 $0x800;
	[sflag:s3] =	ssyncset.done $0x0  }
.LBB2_4:
0x100: {  	p0 =	sne.s32 s13, $0xF400;
	s14 =	sadd.s32 $0xFFFFFB00, s11;
	[sflag:s3] =	ssyncadd.s32 $0xFFFFD800  }
0x101: {  	[tilespmem:s5], [sflag:$0x2] =	stream.linear.gather [hbm4b:s14+s16], $0x2800, $0x38;
	[tilespmem:$0x1D000] =	vst v63  }
0x102: {  	s14 =	smov.u32 s13;
	s13 =	sadd.s32 $0x400, s13;
	_ =	swait.ge [sflag:s6], $0x2800  }
0x103: {  	[sflag:s6] =	ssyncset.done $0x0  }
0x104: {  	s15 =	sshra.s32 s12, $0x2;
	s12 =	smov.u32 s14;
	[sflag:s6] =	ssyncadd.s32 $0xFFFFD800  }
0x105: {  	[spmem:s22] =	stream.indirect.scatter.add.f32 [tilespmem:s4], [sflag:$0x3], $0x80, s15, s7, $0xb8;
	[tilespmem:$0x1D000] =	vst v63  }
0x106: {  	_ =	swait.ge [sflag:s3], $0x2800  }
0x107: {  	[sflag:s3] =	ssyncset.done $0x0  }
0x108: {  	[sflag:s3] =	ssyncadd.s32 $0xFFFFD800  }
0x109: {  	[tilespmem:s4], [sflag:$0x1] =	stream.linear.gather [hbm4b:s11+s16], $0x2800, $0x38;
	[tilespmem:$0x1D000] =	vst v63  }
0x10a: {  	_ =	swait.ge [sflag:s8], $0x2800  }
.Ltmp1:
0x10b: {  	[sflag:s8] =	ssyncset.done $0x0;
	(pc) =	sbr.rel @p0 .LBB2_4-.Ltmp1, $4  }
0x10c: {  	s14 =	sadd.s32 $0x80, s15;
	[sflag:s8] =	ssyncadd.s32 $0xFFFFD800  }
0x10d: {  	[spmem:s22] =	stream.indirect.scatter.add.f32 [tilespmem:s5], [sflag:$0x3], $0x80, s14, s7, $0xb8;
	[tilespmem:$0x1D000] =	vst v63  }
0x10e: {  	_ =	swait.ge [sflag:s3], $0x2800  }
0x10f: {  	s11 =	sadd.s32 $0xA00, s11;
	[sflag:s3] =	ssyncset.done $0x0  }
0x110: {  	s13 =	sadd.s32 $0xFFFFFB00, s11;
	[sflag:s3] =	ssyncadd.s32 $0xFFFFD800  }
0x111: {  	[tilespmem:s5], [sflag:$0x2] =	stream.linear.gather [hbm4b:s13+s16], $0x2800, $0x38;
	[tilespmem:$0x1D000] =	vst v63  }
0x112: {  	_ =	swait.ge [sflag:s6], $0x2800  }
0x113: {  	[sflag:s6] =	ssyncset.done $0x0  }
0x114: {  	s12 =	sshra.s32 s12, $0x2;
	[sflag:s6] =	ssyncadd.s32 $0xFFFFD800  }
0x115: {  	[spmem:s22] =	stream.indirect.scatter.add.f32 [tilespmem:s4], [sflag:$0x3], $0x80, s12, s7, $0xb8;
	[tilespmem:$0x1D000] =	vst v63  }
0x116: {  	_ =	swait.ge [sflag:s3], $0x2800  }
0x117: {  	[sflag:s3] =	ssyncset.done $0x0  }
0x118: {  	[sflag:s3] =	ssyncadd.s32 $0xFFFFD800  }
0x119: {  	[tilespmem:s4], [sflag:$0x1] =	stream.linear.gather [hbm4b:s11+s16], $0x2800, $0x38;
	[tilespmem:$0x1D000] =	vst v63  }
0x11a: {  	_ =	swait.ge [sflag:s8], $0x2800  }
0x11b: {  	[sflag:s8] =	ssyncset.done $0x0  }
0x11c: {  	s12 =	sadd.s32 $0x80, s12;
	[sflag:s8] =	ssyncadd.s32 $0xFFFFD800  }
0x11d: {  	[spmem:s22] =	stream.indirect.scatter.add.f32 [tilespmem:s5], [sflag:$0x3], $0x80, s12, s7, $0xb8;
	[tilespmem:$0x1D000] =	vst v63  }
0x11e: {  	_ =	swait.ge [sflag:s3], $0x2800  }
0x11f: {  	[sflag:s3] =	ssyncset.done $0x0  }
0x120: {  	[sflag:s3] =	ssyncadd.s32 $0xFFFFD800  }
0x121: {  	_ =	swait.ge [sflag:s6], $0x2800  }
0x122: {  	[sflag:s6] =	ssyncset.done $0x0  }
0x123: {  	[sflag:s6] =	ssyncadd.s32 $0xFFFFD800  }
0x124: {  	[spmem:s22] =	stream.indirect.scatter.add.f32 [tilespmem:s4], [sflag:$0x3], $0x80, s9, s7, $0xb8;
	[tilespmem:$0x1D000] =	vst v63  }
0x125: {  	_ =	swait.ge [sflag:s3], $0x2800  }
0x126: {  	[sflag:s3] =	ssyncset.done $0x0  }
0x127: {  	[sflag:s3] =	ssyncadd.s32 $0xFFFFD800  }
0x128: {  	[bflag:$0x0] =	sbarrier.arrive $0xFFFF  }
0x129: {  	[tilespmem:s4], [sflag:$0x3] =	stream.linear.gather [spmem:s24], $0x2800, $0x38;
	[tilespmem:$0x1D000] =	vst v63  }
0x12a: {  	_ =	swait.ge [sflag:s3], $0x2800  }
0x12b: {  	[sflag:s3] =	ssyncset.done $0x0  }
0x12c: {  	s13 =	rddreg [dreg:$0xc];
	[sflag:s3] =	ssyncadd.s32 $0xFFFFD800  }
0x12d: {  	[hbm4b:s13+s16] =	stream.linear.scatter [tilespmem:s4], [sflag:$0x3], $0x2800, $0x38;
	[tilespmem:$0x1D000] =	vst v63  }
0x12e: {  	_ =	swait.ge [sflag:s3], $0x2800  }
0x12f: {  	[sflag:s3] =	ssyncset.done $0x0  }
0x130: {  	[sflag:s3] =	ssyncadd.s32 $0xFFFFD800  }
0x131: {  	[tilespmem:s4], [sflag:$0x3] =	stream.linear.gather [spmem:s26], $0x2800, $0x38;
	[tilespmem:$0x1D000] =	vst v63  }
0x132: {  	_ =	swait.ge [sflag:s3], $0x2800  }
0x133: {  	[sflag:s3] =	ssyncset.done $0x0  }
0x134: {  	s14 =	rddreg [dreg:$0xd];
	[sflag:s3] =	ssyncadd.s32 $0xFFFFD800  }
0x135: {  	[hbm4b:s14+s16] =	stream.linear.scatter [tilespmem:s4], [sflag:$0x3], $0x2800, $0x38;
	[tilespmem:$0x1D000] =	vst v63  }
0x136: {  	_ =	swait.ge [sflag:s3], $0x2800  }
0x137: {  	[sflag:s3] =	ssyncset.done $0x0  }
0x138: {  	[sflag:s3] =	ssyncadd.s32 $0xFFFFD800  }
0x139: {  	[tilespmem:s4], [sflag:$0x3] =	stream.linear.gather [spmem:s28], $0x2800, $0x38;
	[tilespmem:$0x1D000] =	vst v63  }
0x13a: {  	_ =	swait.ge [sflag:s3], $0x2800  }
0x13b: {  	[sflag:s3] =	ssyncset.done $0x0  }
0x13c: {  	s15 =	rddreg [dreg:$0xe];
	[sflag:s3] =	ssyncadd.s32 $0xFFFFD800  }
0x13d: {  	[hbm4b:s15+s16] =	stream.linear.scatter [tilespmem:s4], [sflag:$0x3], $0x2800, $0x38;
	[tilespmem:$0x1D000] =	vst v63  }
0x13e: {  	_ =	swait.ge [sflag:s3], $0x2800  }
0x13f: {  	[sflag:s3] =	ssyncset.done $0x0  }
0x140: {  	[sflag:s3] =	ssyncadd.s32 $0xFFFFD800  }
0x141: {  	[tilespmem:s4], [sflag:$0x3] =	stream.linear.gather [spmem:s29], $0x2800, $0x38;
	[tilespmem:$0x1D000] =	vst v63  }
0x142: {  	_ =	swait.ge [sflag:s3], $0x2800  }
0x143: {  	[sflag:s3] =	ssyncset.done $0x0  }
0x144: {  	s12 =	rddreg [dreg:$0xf];
	[sflag:s3] =	ssyncadd.s32 $0xFFFFD800  }
0x145: {  	[hbm4b:s12+s16] =	stream.linear.scatter [tilespmem:s4], [sflag:$0x3], $0x2800, $0x38;
	[tilespmem:$0x1D000] =	vst v63  }
0x146: {  	_ =	swait.ge [sflag:s3], $0x2800  }
0x147: {  	[sflag:s3] =	ssyncset.done $0x0  }
0x148: {  	[sflag:s3] =	ssyncadd.s32 $0xFFFFD800  }
0x149: {  	[tilespmem:s4], [sflag:$0x3] =	stream.linear.gather [spmem:s30], $0x2800, $0x38;
	[tilespmem:$0x1D000] =	vst v63  }
0x14a: {  	_ =	swait.ge [sflag:s3], $0x2800  }
0x14b: {  	[sflag:s3] =	ssyncset.done $0x0  }
0x14c: {  	s13 =	rddreg [dreg:$0x10];
	[sflag:s3] =	ssyncadd.s32 $0xFFFFD800  }
0x14d: {  	[hbm4b:s13+s16] =	stream.linear.scatter [tilespmem:s4], [sflag:$0x3], $0x2800, $0x38;
	[tilespmem:$0x1D000] =	vst v63  }
0x14e: {  	_ =	swait.ge [sflag:s3], $0x2800  }
0x14f: {  	[sflag:s3] =	ssyncset.done $0x0  }
0x150: {  	[sflag:s3] =	ssyncadd.s32 $0xFFFFD800  }
0x151: {  	[tilespmem:s4], [sflag:$0x3] =	stream.linear.gather [spmem:s31], $0x2800, $0x38;
	[tilespmem:$0x1D000] =	vst v63  }
0x152: {  	_ =	swait.ge [sflag:s3], $0x2800  }
0x153: {  	[sflag:s3] =	ssyncset.done $0x0  }
0x154: {  	s14 =	rddreg [dreg:$0x11];
	[sflag:s3] =	ssyncadd.s32 $0xFFFFD800  }
0x155: {  	[hbm4b:s14+s16] =	stream.linear.scatter [tilespmem:s4], [sflag:$0x3], $0x2800, $0x38;
	[tilespmem:$0x1D000] =	vst v63  }
0x156: {  	_ =	swait.ge [sflag:s3], $0x2800  }
0x157: {  	[sflag:s3] =	ssyncset.done $0x0  }
0x158: {  	[sflag:s3] =	ssyncadd.s32 $0xFFFFD800  }
0x159: {  	[tilespmem:s4], [sflag:$0x3] =	stream.linear.gather [spmem:s21], $0x2800, $0x38;
	[tilespmem:$0x1D000] =	vst v63  }
0x15a: {  	_ =	swait.ge [sflag:s3], $0x2800  }
0x15b: {  	[sflag:s3] =	ssyncset.done $0x0  }
0x15c: {  	s15 =	rddreg [dreg:$0x12];
	[sflag:s3] =	ssyncadd.s32 $0xFFFFD800  }
0x15d: {  	[hbm4b:s15+s16] =	stream.linear.scatter [tilespmem:s4], [sflag:$0x3], $0x2800, $0x38;
	[tilespmem:$0x1D000] =	vst v63  }
0x15e: {  	_ =	swait.ge [sflag:s3], $0x2800  }
0x15f: {  	[sflag:s3] =	ssyncset.done $0x0  }
0x160: {  	[sflag:s3] =	ssyncadd.s32 $0xFFFFD800  }
0x161: {  	[tilespmem:s4], [sflag:$0x3] =	stream.linear.gather [spmem:s0], $0x2800, $0x38;
	[tilespmem:$0x1D000] =	vst v63  }
0x162: {  	s10 =	sadd.s32 $0x1, s10;
	_ =	swait.ge [sflag:s3], $0x2800  }
0x163: {  	p0 =	sne.s32 s10, s25;
	[sflag:s3] =	ssyncset.done $0x0  }
.Ltmp2:
0x164: {  	[sflag:s3] =	ssyncadd.s32 $0xFFFFD800;
	(pc) =	sbr.rel @p0 .LBB2_1-.Ltmp2, $4  }
0x165: {  	[hbm4b:s17+s16] =	stream.linear.scatter [tilespmem:s4], [sflag:$0x3], $0x2800, $0x38;
	[tilespmem:$0x1D000] =	vst v63  }
0x166: {  	_ =	swait.ge [sflag:s3], $0x2800  }
0x167: {  	[sflag:s3] =	ssyncset.done $0x0  }
0x168: {  	[sflag:s3] =	ssyncadd.s32 $0xFFFFD800  }
0x169: {  	_ =	sfence.sel $0x180000  }
0x16a: {  	[bflag:$0x0] =	sbarrier.arrive $0xFFFF  }
0x16b: {  	_ =	strace $0x9000004A  }
0x16c: {  	s0 =	stileid.u32;
	[bflag:$0x2] =	sbarrier.arrive $0xFFFF  }
0x16d: {  	p0 =	sne.s32 s0, $0x0;
	s0 =	rddreg [dreg:$0x3]  }
0x16e: {  	s0 =	sadd.s32 @!p0 $0x100000, s0  }
0x16f: {  	[sflag:s0] =	ssyncadd.tile.s32 @!p0 $0x1;
	_ =	shalt  }
.Lfunc_end2:
_tile_overlayer_lowered:
.L_overlay_start_2:
0x170: {  	(tag) =	ssettag $0x2  }
0x171: {  	s0 =	rddreg [dreg:$0x0];
	s2 =	stileid.u32  }
0x172: {  	s1 =	rddreg [dreg:$0x1];
	p0 =	sne.s32 s2, $0x0  }
0x173: {  	s3 =	rddreg [dreg:$0x2];
	[bflag:$0x3] =	sbarrier.arrive $0xFFFF;
	s2 =	simm.s32 @!p0 $0x1C03  }
0x174: {  	[timem:s3], [sflag:s2] =	dma.local @!p0 [hbm:s0], s1  }
0x175: {  	s0 =	simm.s32 @!p0 $0x3  }
0x176: {  	_ =	swait.ge @!p0 [sflag:s0], s1  }
0x177: {  	s1 =	ssub.s32 @!p0 $0x0, s1;
	[sflag:s0] =	ssyncset.done @!p0 $0x0  }
0x178: {  	[sflag:s0] =	ssyncadd.s32 @!p0 s1  }
0x179: {  	[bflag:$0x3] =	sbarrier.arrive $0xFFFF  }
0x17a: {  	_ =	shalt  }

// kernel: kernel.7.cloned.1.call-start
scs
__scs_entry_jumppad:
0x0: {  	(pc) =	sbr.rel $0x88, $3  }
0x1: {  	(tag) =	ssettag $0x0;
	lr =	simm.s32 $0x1  }
0x2: {  	[smem:$0x3F92] =	sst lr;
	_ =	strace $0xD0000000  }
0x3: {  	_ = 	snop  }
0x4: {  	_ = 	snop  }
0x5: {  	_ = 	snop  }
0x6: {  	_ = 	snop  }
0x7: {  	_ = 	snop  }
__scs_overlays_trampoline_lowered:
0x8: {  	[smem:$0x3FA1] =	sst s0  }
0x9: {  	[smem:$0x3FA2] =	sst s1  }
0xa: {  	[smem:$0x3FA3] =	sst s2  }
0xb: {  	[smem:$0x3FA4] =	sst s3  }
0xc: {  	[smem:$0x3FA5] =	sst s4  }
0xd: {  	[smem:$0x3FA6] =	sst s5  }
0xe: {  	[smem:$0x3FA7] =	sst s6  }
0xf: {  	[smem:$0x3FA8] =	sst s7  }
0x10: {  	[smem:$0x3FA9] =	sst s8  }
0x11: {  	[smem:$0x3FAA] =	sst s9;
	s0 =	simm.s32 @!p0 $0x0  }
0x12: {  	s1 =	sld [smem:$0x3F90];
	s0 =	simm.s32 @p0 $0x1  }
0x13: {  	[smem:$0x3FAB] =	sst s0;
	s0 =	simm.s32 @!p1 $0x0  }
0x14: {  	s2 =	sld [smem:$0x3F8F];
	s0 =	simm.s32 @p1 $0x1  }
0x15: {  	[smem:$0x3FAC] =	sst s0;
	s0 =	simm.s32 @!p2 $0x0  }
0x16: {  	s3 =	sld [smem:$0x3FDB];
	s0 =	simm.s32 @p2 $0x1  }
0x17: {  	s4 =	simm.s32 $0x1BF5;
	[smem:$0x3FAE] =	sst s0  }
0x18: {  	s0 =	sld [smem:$0x3F91];
	_ =	swait.ge [sflag:s4], $0x0  }
0x19: {  	s7 =	sld [smem:$0x3F92]  }
0x1a: {  	s8 =	sadd.s32 $0xFFFFE003, lr  }
0x1b: {  	s9 =	sadd.s32 $0xFFFFFEF7, lr;
	s5 =	simm.s32 $0xFFFFFFFF;
	p2 =	slt.u32 s8, $0xFFFFF086  }
0x1c: {  	p1 =	slt.u32 s9, $0xF7A;
	s5 =	simm.s32 @!p2 $0x0  }
0x1d: {  	s5 =	simm.s32 @p1 $0x1;
	p0 =	seq.s32 s7, s2  }
0x1e: {  	s7 =	smul.u32 @!p0 $0xF7A, s2;
	p2 =	seq.s32 @!p0 s5, $0x0  }
0x1f: {  	s9 =	smul.u32 $0xF7A, s1;
	s8 =	simm.s32 @!p0 $0x1BF5;
	p2 =	por !p2, p0  }
0x20: {  	[sflag:s8] =	ssyncset.s32 @!p0 $0xFFFFF086;
	s6 =	sadd.s32 @!p0 s3, s7;
	s7 =	simm.s32 @!p0 $0x108  }
0x21: {  	s3 =	sadd.s32 s3, s9;
	s6 =	sadd.s32 @!p0 $0x88, s6;
	s7 =	simm.s32 @p2 $0x1082  }
0x22: {  	[simem:s7], [sflag:s8] =	dma.local @!p0 [hbm:s6], $0xF7A  }
0x23: {  	s9 =	sor.u32 $0xD0000000, s2;
	s6 =	simm.s32 $0x108;
	_ =	swait.ge @!p0 [sflag:s8], $0x0  }
0x24: {  	s3 =	sadd.s32 $0x88, s3;
	s6 =	simm.s32 @!p1 $0x1082;
	[sflag:s4] =	ssyncset.s32 $0xFFFFF086  }
0x25: {  	[simem:s6], [sflag:s4] =	dma.local [hbm:s3], $0xF7A  }
0x26: {  	[smem:$0x3F92] =	sst s1;
	(tag) =	ssettag s2;
	_ =	strace s9  }
0x27: {  	s1 =	sld [smem:$0x3FA2]  }
0x28: {  	s2 =	sld [smem:$0x3FA3]  }
0x29: {  	s4 =	sld [smem:$0x3FA5]  }
0x2a: {  	p0 =	seq.s32 s5, $0x0;
	s5 =	sld [smem:$0x3FA6]  }
0x2b: {  	s6 =	sld [smem:$0x3FA7]  }
0x2c: {  	s7 =	sld [smem:$0x3FA8]  }
0x2d: {  	s3 =	simm.s32 $0x108;
	s8 =	sld [smem:$0x3FA9]  }
0x2e: {  	s3 =	simm.s32 @!p0 $0x1082;
	s9 =	sld [smem:$0x3FAA]  }
0x2f: {  	lr =	sadd.s32 s0, s3;
	s0 =	sld [smem:$0x3FA1]  }
0x30: {  	s3 =	sld [smem:$0x3FA4]  }
0x31: {  	[smem:$0x3FAD] =	sst s10  }
0x32: {  	s10 =	sld [smem:$0x3FAB];
	_ =	sdelay $0x3  }
0x33: {  	p0 =	seq.s32 s10, $0x1;
	s10 =	sld [smem:$0x3FAD];
	_ =	sdelay $0x3  }
0x34: {  	[smem:$0x3FAD] =	sst s10  }
0x35: {  	s10 =	sld [smem:$0x3FAC];
	_ =	sdelay $0x3  }
0x36: {  	p1 =	seq.s32 s10, $0x1;
	s10 =	sld [smem:$0x3FAD];
	_ =	sdelay $0x3  }
0x37: {  	[smem:$0x3FAD] =	sst s10  }
0x38: {  	s10 =	sld [smem:$0x3FAE]  }
0x39: {  	_ = 	snop;
	(pc) =	sbr.ind lr, $3  }
0x3a: {  	_ = 	snop  }
0x3b: {  	_ = 	snop  }
0x3c: {  	p2 =	seq.s32 s10, $0x1;
	s10 =	sld [smem:$0x3FAD]  }
0x3d: {  	_ =	shalt  }
0x3e: {  	_ =	shalt  }
0x3f: {  	_ =	shalt  }
0x40: {  	_ =	shalt  }
0x41: {  	_ =	shalt  }
0x42: {  	_ =	shalt  }
0x43: {  	_ =	shalt  }
0x44: {  	_ =	shalt  }
0x45: {  	_ =	shalt  }
0x46: {  	_ =	shalt  }
0x47: {  	_ =	shalt  }
0x48: {  	_ =	shalt  }
0x49: {  	_ =	shalt  }
0x4a: {  	_ =	shalt  }
0x4b: {  	_ =	shalt  }
0x4c: {  	_ =	shalt  }
0x4d: {  	_ =	shalt  }
0x4e: {  	_ =	shalt  }
0x4f: {  	_ =	shalt  }
0x50: {  	_ =	shalt  }
0x51: {  	_ =	shalt  }
0x52: {  	_ =	shalt  }
0x53: {  	_ =	shalt  }
0x54: {  	_ =	shalt  }
0x55: {  	_ =	shalt  }
0x56: {  	_ =	shalt  }
0x57: {  	_ =	shalt  }
0x58: {  	_ =	shalt  }
0x59: {  	_ =	shalt  }
0x5a: {  	_ =	shalt  }
0x5b: {  	_ =	shalt  }
0x5c: {  	_ =	shalt  }
0x5d: {  	_ =	shalt  }
0x5e: {  	_ =	shalt  }
0x5f: {  	_ =	shalt  }
0x60: {  	_ =	shalt  }
0x61: {  	_ =	shalt  }
0x62: {  	_ =	shalt  }
0x63: {  	_ =	shalt  }
0x64: {  	_ =	shalt  }
0x65: {  	_ =	shalt  }
0x66: {  	_ =	shalt  }
0x67: {  	_ =	shalt  }
0x68: {  	_ =	shalt  }
0x69: {  	_ =	shalt  }
0x6a: {  	_ =	shalt  }
0x6b: {  	_ =	shalt  }
0x6c: {  	_ =	shalt  }
0x6d: {  	_ =	shalt  }
0x6e: {  	_ =	shalt  }
0x6f: {  	_ =	shalt  }
0x70: {  	_ =	shalt  }
0x71: {  	_ =	shalt  }
0x72: {  	_ =	shalt  }
0x73: {  	_ =	shalt  }
0x74: {  	_ =	shalt  }
0x75: {  	_ =	shalt  }
0x76: {  	_ =	shalt  }
0x77: {  	_ =	shalt  }
0x78: {  	_ =	shalt  }
0x79: {  	_ =	shalt  }
0x7a: {  	_ =	shalt  }
0x7b: {  	_ =	shalt  }
0x7c: {  	_ =	shalt  }
0x7d: {  	_ =	shalt  }
0x7e: {  	_ =	shalt  }
0x7f: {  	_ =	shalt  }
0x80: {  	_ =	shalt  }
0x81: {  	_ =	shalt  }
0x82: {  	_ =	shalt  }
0x83: {  	_ =	shalt  }
0x84: {  	_ =	shalt  }
0x85: {  	_ =	shalt  }
0x86: {  	_ =	shalt  }
0x87: {  	_ =	shalt  }
.Lfunc_end0:
.L_simem_size_0:
called_computation_lowered:
.L_overlay_start_0:
0x88: {  	s2 =	sld [smem:$0x3FD9]  }
0x89: {  	s3 =	sld [smem:$0x3FFE];
	_ =	sdelay $0x1  }
0x8a: {  	s1 =	srdreg.scid  }
0x8b: {  	s0 =	sand.u32 $0x1, s1  }
0x8c: {  	s14 =	sshll.u32 s0, $0xA;
	s2 =	sadd.s32 s3, s2  }
0x8d: {  	s2 =	sadd.s32 s2, s14  }
0x8e: {  	[smem:$0x3FB9] =	sst s2  }
0x8f: {  	_ = 	snop  }
0x90: {  	s2 =	sld [smem:$0x3FD0];
	_ =	sdelay $0x2  }
0x91: {  	s15 =	simm.s32 $0xA;
	s4 =	simm.s32 $0x10  }
0x92: {  	[smem:s4], [sflag:s15] =	dma.local [hbm:s2], $0x1  }
0x93: {  	_ =	swait.eq [sflag:s15], $0x1  }
0x94: {  	[sflag:s15] =	ssyncset.done $0x0  }
0x95: {  	s16 =	sld [smem:$0x10];
	[sflag:s15] =	ssyncadd.s32 $0xFFFFFFFF  }
0x96: {  	s17 =	sld [smem:$0x11];
	(tm) =	ssettm $0x1  }
0x97: {  	s18 =	sld [smem:$0x3FFB];
	_ =	sdelay $0x3  }
0x98: {  	_ =	strace s18  }
0x99: {  	s4 =	sld [smem:$0x3FFC];
	_ =	sdelay $0x3  }
0x9a: {  	_ =	strace s4  }
0x9b: {  	s4 =	sld [smem:$0x3FFD];
	_ =	sdelay $0x3  }
0x9c: {  	_ =	strace s4  }
0x9d: {  	_ =	strace $0x8FFFFFFF  }
0x9e: {  	s19 =	sld [smem:$0x3FDB];
	_ =	sdelay $0x1  }
0x9f: {  	s5 =	simm.s32 $_scs_section_size  }
0xa0: {  	s6 =	simm.s32 $_size__tile_overlayer_lowered;
	s7 =	simm.s32 $_tile_overlayer_lowered  }
0xa1: {  	s22 =	simm.s32 $0x1BFF;
	s21 =	sshll.u32 s7, $0x1;
	s4 =	sadd.s32 s5, s19  }
0xa2: {  	s8 =	simm.s32 $0x0;
	s20 =	sshll.u32 s6, $0x1;
	s6 =	sadd.s32 s21, s4  }
0xa3: {  	[timem:s8], [sflag:s22] =	dma.local [hbm:s6], s20  }
0xa4: {  	_ =	swait.ge [sflag:s22], s20  }
0xa5: {  	s5 =	ssub.s32 $0x0, s20;
	[sflag:s22] =	ssyncset.done $0x0  }
0xa6: {  	[sflag:s22] =	ssyncadd.s32 s5;
	_ =	sdelay $0x1  }
0xa7: {  	s23 =	simm.s32 $0x1B8B  }
0xa8: {  	_ =	swait.ge [sflag:s23], $0x1  }
0xa9: {  	[sflag:s23] =	ssyncset.done $0x0  }
0xaa: {  	s25 =	simm.s32 $0x1B8E;
	s24 =	sld [smem:$0x3FFE];
	[sflag:s23] =	ssyncadd.s32 $0xFFFFFFFF  }
0xab: {  	s26 =	simm.s32 $execute0_lowered;
	[smem:$0x3FD2] =	sst s25  }
0xac: {  	s6 =	sshll.u32 s26, $0x1;
	_ =	strace $0x80000046;
	[dreg:$0x1] =	wrdreg $0xFFFFFFFF  }
0xad: {  	s28 =	simm.s32 $_size_execute0_lowered;
	s4 =	sadd.s32 s4, s6;
	[dreg:$0x0] =	wrdreg $0x0  }
0xae: {  	s6 =	sshll.u32 s28, $0x1;
	[dreg:$0x2] =	wrdreg s4  }
0xaf: {  	[dreg:$0x3] =	wrdreg s6  }
0xb0: {  	[dreg:$0x4] =	wrdreg $0xC0  }
0xb1: {  	_ =	task [dreg:s8], $0x5FFFF  }
0xb2: {  	[dreg:$0x1] =	wrdreg $0xFFFFFFFF  }
0xb3: {  	[dreg:$0x0] =	wrdreg $0x60  }
0xb4: {  	[dreg:$0x2] =	wrdreg s16  }
0xb5: {  	[dreg:$0x3] =	wrdreg s17  }
0xb6: {  	[dreg:$0x4] =	wrdreg s24  }
0xb7: {  	[dreg:$0x5] =	wrdreg $0x9  }
0xb8: {  	_ =	task.clear_ibuf [dreg:s8], $0x6FFFF;
	_ =	strace $0x90000046  }
0xb9: {  	s29 =	simm.s32 $0x9;
	_ =	strace $0x80000048  }
0xba: {  	_ =	swait.ge [sflag:s29], $0x1  }
0xbb: {  	[sflag:s29] =	ssyncadd.s32 $0xFFFFFFFF  }
0xbc: {  	_ =	strace $0x90000048  }
0xbd: {  	_ =	sfence  }
0xbe: {  	s30 =	sld [smem:$0x0];
	_ =	sdelay $0x2  }
0xbf: {  	s31 =	sshll.u32 s1, $0xD;
	s1 =	sshrl.u32 s1, $0x2  }
0xc0: {  	s3 =	sand.u32 $0x4000, s31;
	s1 =	sadd.s32 s1, s30  }
0xc1: {  	s0 =	sor.u32 s3, s0;
	s1 =	sshll.u32 s1, $0x11  }
0xc2: {  	s0 =	sor.u32 s1, s0  }
0xc3: {  	s0 =	sadd.s32 $0x8F2B, s0  }
0xc4: {  	[sflag:s0] =	ssyncadd.remote.s32 $0x1  }
0xc5: {  	_ =	sfence.sel $0xFFFF  }
0xc6: {  	[dreg:$0x0] =	wrdreg $0xFFFFFFFF;
	(pc) =	sbr.abs _section_cstart, $3  }
0xc7: {  	[dreg:$0x1] =	wrdreg $0xFFFFFFFF  }
0xc8: {  	_ =	task.clear_ibuf [dreg:s8], $0x2FFFF;
	_ =	strace $0x9FFFFFFF  }
0xc9: {  	(tm) =	ssettm $0x7FFFFFFF  }
tec
execute0_lowered:
.L_overlay_start_1:
0x0: {  	(tag) =	ssettag $0x1  }
0x1: {  	s1 =	rddreg [dreg:$0x0]  }
0x2: {  	s3 =	rddreg [dreg:$0x1]  }
0x3: {  	s6 =	rddreg [dreg:$0x2]  }
0x4: {  	s5 =	srdreg.scid;
	s0 =	stileid.u32;
	s4 =	simm.s32 $0x0  }
0x5: {  	s18 =	simm.s32 $0x8000;
	s19 =	simm.s32 $0xA800;
	s20 =	simm.s32 $0xD000  }
0x6: {  	s21 =	simm.s32 $0xF800;
	s22 =	simm.s32 $0x12000;
	s23 =	simm.s32 $0x14800  }
0x7: {  	s12 =	sand.u32 $0x1, s5;
	s24 =	sshll.u32 s0, $0x1;
	[smem:$0x7FF] =	sst s4  }
0x8: {  	s5 =	sadd.s32 $0x24600, s6;
	s13 =	sadd.s32 $0x4B800, s6;
	s14 =	sadd.s32 $0x52D800, s6  }
0x9: {  	s15 =	sadd.s32 $0xA0F800, s6;
	s16 =	smul.u32 $0x4E200, s0;
	s7 =	sor.u32 s12, s24  }
0xa: {  	_ =	strace $0x80000047;
	s9 =	ssub.s32 $0x2, s12;
	s17 =	smul.u32 $0x27100, s12  }
0xb: {  	s24 =	simm.s32 $0x1;
	s8 =	sshll.u32 s7, $0xB;
	s7 =	smul.u32 $0x138800, s7  }
0xc: {  	s10 =	sshrl.u32 s9, $0x1;
	s29 =	sadd.s32 s16, s13;
	s30 =	sadd.s32 s16, s14  }
0xd: {  	s31 =	sadd.s32 s16, s15;
	s16 =	simm.s32 $0x4000;
	s8 =	sadd.s32 s8, s6  }
0xe: {  	s11 =	ssub.s32 s9, s10;
	s12 =	sadd.s32 s17, s29;
	s2 =	sadd.s32 $0x14600, s8  }
0xf: {  	s25 =	sshrl.u32 s7, $0x3;
	s26 =	sadd.s32 $0x4600, s8;
	[dreg:$0x4] =	wrdreg s2  }
0x10: {  	s11 =	smax.u32 s11, $0x1;
	[dreg:$0x5] =	wrdreg s26;
	s28 =	sadd.s32 $0x26C00, s25  }
0x11: {  	s25 =	simm.s32 $0x2;
	s26 =	simm.s32 $0x0;
	s8 =	sadd.s32 s13, s28  }
0x12: {  	s9 =	sadd.s32 s14, s28;
	s10 =	sadd.s32 s15, s28;
	s13 =	sadd.s32 s17, s30  }
0x13: {  	s14 =	sadd.s32 s17, s31;
	s15 =	simm.s32 $0x3;
	s17 =	simm.s32 $0x50  }
.LBB2_1:
0x14: {  	s0 =	rddreg [dreg:$0x4]  }
0x15: {  	[tilespmem:s4], [sflag:$0x3] =	stream.linear.gather [hbm4b:s0+s4], $0x3E80, $0x38;
	[tilespmem:$0x17000] =	vst v63  }
0x16: {  	_ =	swait.ge [sflag:s15], $0x3E80  }
0x17: {  	[sflag:s15] =	ssyncset.done $0x0  }
0x18: {  	s6 =	rddreg [dreg:$0x5];
	[sflag:s15] =	ssyncadd.s32 $0xFFFFC180  }
0x19: {  	[tilespmem:s16], [sflag:$0x3] =	stream.linear.gather [hbm4b:s6+s4], $0x3E80, $0x38;
	[tilespmem:$0x17000] =	vst v63  }
0x1a: {  	_ =	swait.ge [sflag:s15], $0x3E80  }
0x1b: {  	[sflag:s15] =	ssyncset.done $0x0  }
0x1c: {  	[sflag:s15] =	ssyncadd.s32 $0xFFFFC180  }
0x1d: {  	[tilespmem:s18], [sflag:$0x1] =	stream.indirect.gather [hbm4b:s1+s17], $0x80, s4, s17, $0xb8;
	[tilespmem:$0x17000] =	vst v63  }
0x1e: {  	_ = 	snop  }
0x1f: {  	[tilespmem:s19], [sflag:$0x1] =	stream.indirect.gather [hbm4b:s3+s17], $0x80, s16, s17, $0xb8;
	[tilespmem:$0x17000] =	vst v63  }
0x20: {  	_ = 	snop  }
0x21: {  	[tilespmem:s20], [sflag:$0x1] =	stream.indirect.gather [hbm4b:s5+s17], $0x80, s4, s17, $0xb8;
	[tilespmem:$0x17000] =	vst v63  }
0x22: {  	s28 =	simm.s32 $0x80  }
0x23: {  	[tilespmem:s21], [sflag:$0x2] =	stream.indirect.gather [hbm4b:s1+s17], $0x80, s28, s17, $0xb8;
	[tilespmem:$0x17000] =	vst v63  }
0x24: {  	s29 =	simm.s32 $0x4080  }
0x25: {  	[tilespmem:s22], [sflag:$0x2] =	stream.indirect.gather [hbm4b:s3+s17], $0x80, s29, s17, $0xb8;
	[tilespmem:$0x17000] =	vst v63  }
0x26: {  	_ = 	snop  }
0x27: {  	[tilespmem:s23], [sflag:$0x2] =	stream.indirect.gather [hbm4b:s5+s17], $0x80, s28, s17, $0xb8;
	[tilespmem:$0x17000] =	vst v63  }
0x28: {  	_ =	swait.ge [sflag:s24], $0x2800  }
0x29: {  	[sflag:s24] =	ssyncset.done $0x0  }
0x2a: {  	[sflag:s24] =	ssyncadd.s32 $0xFFFFD800  }
0x2b: {  	_ =	swait.ge [sflag:s24], $0x2800  }
0x2c: {  	[sflag:s24] =	ssyncset.done $0x0  }
0x2d: {  	[sflag:s24] =	ssyncadd.s32 $0xFFFFD800  }
0x2e: {  	_ =	swait.ge [sflag:s24], $0x2800  }
0x2f: {  	[sflag:s24] =	ssyncset.done $0x0  }
0x30: {  	s28 =	sadd.s32 $0x0, s12;
	[sflag:s24] =	ssyncadd.s32 $0xFFFFD800  }
0x31: {  	[hbm4b:s28+s4] =	stream.linear.scatter [tilespmem:s18], [sflag:$0x3], $0x2800, $0x38;
	[tilespmem:$0x17000] =	vst v63  }
0x32: {  	_ =	swait.ge [sflag:s15], $0x2800  }
0x33: {  	[sflag:s15] =	ssyncset.done $0x0  }
0x34: {  	s30 =	sadd.s32 $0x0, s13;
	[sflag:s15] =	ssyncadd.s32 $0xFFFFD800  }
0x35: {  	[hbm4b:s30+s4] =	stream.linear.scatter [tilespmem:s19], [sflag:$0x3], $0x2800, $0x38;
	[tilespmem:$0x17000] =	vst v63  }
0x36: {  	_ =	swait.ge [sflag:s15], $0x2800  }
0x37: {  	[sflag:s15] =	ssyncset.done $0x0  }
0x38: {  	s31 =	sadd.s32 $0x0, s14;
	[sflag:s15] =	ssyncadd.s32 $0xFFFFD800  }
0x39: {  	[hbm4b:s31+s4] =	stream.linear.scatter [tilespmem:s20], [sflag:$0x3], $0x2800, $0x38;
	[tilespmem:$0x17000] =	vst v63  }
0x3a: {  	_ =	swait.ge [sflag:s15], $0x2800  }
0x3b: {  	[sflag:s15] =	ssyncset.done $0x0  }
0x3c: {  	s7 =	simm.s32 $0x100;
	[sflag:s15] =	ssyncadd.s32 $0xFFFFD800  }
0x3d: {  	[tilespmem:s18], [sflag:$0x1] =	stream.indirect.gather [hbm4b:s1+s17], $0x80, s7, s17, $0xb8;
	[tilespmem:$0x17000] =	vst v63  }
0x3e: {  	s29 =	simm.s32 $0x4100  }
0x3f: {  	[tilespmem:s19], [sflag:$0x1] =	stream.indirect.gather [hbm4b:s3+s17], $0x80, s29, s17, $0xb8;
	[tilespmem:$0x17000] =	vst v63  }
0x40: {  	_ = 	snop  }
0x41: {  	[tilespmem:s20], [sflag:$0x1] =	stream.indirect.gather [hbm4b:s5+s17], $0x80, s7, s17, $0xb8;
	[tilespmem:$0x17000] =	vst v63  }
0x42: {  	_ =	swait.ge [sflag:s25], $0x2800  }
0x43: {  	[sflag:s25] =	ssyncset.done $0x0  }
0x44: {  	[sflag:s25] =	ssyncadd.s32 $0xFFFFD800  }
0x45: {  	_ =	swait.ge [sflag:s25], $0x2800  }
0x46: {  	[sflag:s25] =	ssyncset.done $0x0  }
0x47: {  	[sflag:s25] =	ssyncadd.s32 $0xFFFFD800  }
0x48: {  	_ =	swait.ge [sflag:s25], $0x2800  }
0x49: {  	[sflag:s25] =	ssyncset.done $0x0  }
0x4a: {  	s2 =	sadd.s32 $0x500, s28;
	[sflag:s25] =	ssyncadd.s32 $0xFFFFD800  }
0x4b: {  	[hbm4b:s2+s4] =	stream.linear.scatter [tilespmem:s21], [sflag:$0x3], $0x2800, $0x38;
	[tilespmem:$0x17000] =	vst v63  }
0x4c: {  	_ =	swait.ge [sflag:s15], $0x2800  }
0x4d: {  	[sflag:s15] =	ssyncset.done $0x0  }
0x4e: {  	s6 =	sadd.s32 $0x500, s30;
	[sflag:s15] =	ssyncadd.s32 $0xFFFFD800  }
0x4f: {  	[hbm4b:s6+s4] =	stream.linear.scatter [tilespmem:s22], [sflag:$0x3], $0x2800, $0x38;
	[tilespmem:$0x17000] =	vst v63  }
0x50: {  	_ =	swait.ge [sflag:s15], $0x2800  }
0x51: {  	[sflag:s15] =	ssyncset.done $0x0  }
0x52: {  	s7 =	sadd.s32 $0x500, s31;
	[sflag:s15] =	ssyncadd.s32 $0xFFFFD800  }
0x53: {  	[hbm4b:s7+s4] =	stream.linear.scatter [tilespmem:s23], [sflag:$0x3], $0x2800, $0x38;
	[tilespmem:$0x17000] =	vst v63  }
0x54: {  	s28 =	simm.s32 $0x200;
	_ =	swait.ge [sflag:s15], $0x2800  }
0x55: {  	s30 =	simm.s32 $0xA00;
	s31 =	simm.s32 $0x1400;
	[sflag:s15] =	ssyncset.done $0x0  }
.LBB2_2:
0x56: {  	s0 =	sadd.s32 $0xFFFFFF80, s28  }
0x57: {  	[sflag:s15] =	ssyncadd.s32 $0xFFFFD800;
	s29 =	sadd.s32 $0x100, s29;
	s2 =	smov.u32 s31  }
0x58: {  	[tilespmem:s21], [sflag:$0x2] =	stream.indirect.gather [hbm4b:s1+s17], $0x80, s0, s17, $0xb8;
	[tilespmem:$0x17000] =	vst v63  }
0x59: {  	p0 =	sne.s32 s31, $0x26200;
	s31 =	sadd.s32 $0xA00, s31;
	s6 =	sadd.s32 $0xFFFFFF80, s29  }
0x5a: {  	[tilespmem:s22], [sflag:$0x2] =	stream.indirect.gather [hbm4b:s3+s17], $0x80, s6, s17, $0xb8;
	[tilespmem:$0x17000] =	vst v63  }
0x5b: {  	_ = 	snop  }
0x5c: {  	[tilespmem:s23], [sflag:$0x2] =	stream.indirect.gather [hbm4b:s5+s17], $0x80, s0, s17, $0xb8;
	[tilespmem:$0x17000] =	vst v63  }
0x5d: {  	_ =	swait.ge [sflag:s24], $0x2800  }
0x5e: {  	[sflag:s24] =	ssyncset.done $0x0  }
0x5f: {  	[sflag:s24] =	ssyncadd.s32 $0xFFFFD800  }
0x60: {  	_ =	swait.ge [sflag:s24], $0x2800  }
0x61: {  	[sflag:s24] =	ssyncset.done $0x0  }
0x62: {  	[sflag:s24] =	ssyncadd.s32 $0xFFFFD800  }
0x63: {  	_ =	swait.ge [sflag:s24], $0x2800  }
0x64: {  	[sflag:s24] =	ssyncset.done $0x0  }
0x65: {  	s0 =	sadd.s32 s30, s12;
	[sflag:s24] =	ssyncadd.s32 $0xFFFFD800  }
0x66: {  	[hbm4b:s0+s4] =	stream.linear.scatter [tilespmem:s18], [sflag:$0x3], $0x2800, $0x38;
	[tilespmem:$0x17000] =	vst v63  }
0x67: {  	_ =	swait.ge [sflag:s15], $0x2800  }
0x68: {  	[sflag:s15] =	ssyncset.done $0x0  }
0x69: {  	s6 =	sadd.s32 s30, s13;
	[sflag:s15] =	ssyncadd.s32 $0xFFFFD800  }
0x6a: {  	[hbm4b:s6+s4] =	stream.linear.scatter [tilespmem:s19], [sflag:$0x3], $0x2800, $0x38;
	[tilespmem:$0x17000] =	vst v63  }
0x6b: {  	_ =	swait.ge [sflag:s15], $0x2800  }
0x6c: {  	[sflag:s15] =	ssyncset.done $0x0  }
0x6d: {  	s7 =	sadd.s32 s30, s14;
	s30 =	smov.u32 s2;
	[sflag:s15] =	ssyncadd.s32 $0xFFFFD800  }
0x6e: {  	[hbm4b:s7+s4] =	stream.linear.scatter [tilespmem:s20], [sflag:$0x3], $0x2800, $0x38;
	[tilespmem:$0x17000] =	vst v63  }
0x6f: {  	_ =	swait.ge [sflag:s15], $0x2800  }
0x70: {  	[sflag:s15] =	ssyncset.done $0x0  }
0x71: {  	[sflag:s15] =	ssyncadd.s32 $0xFFFFD800  }
0x72: {  	[tilespmem:s18], [sflag:$0x1] =	stream.indirect.gather [hbm4b:s1+s17], $0x80, s28, s17, $0xb8;
	[tilespmem:$0x17000] =	vst v63  }
0x73: {  	_ = 	snop  }
0x74: {  	[tilespmem:s19], [sflag:$0x1] =	stream.indirect.gather [hbm4b:s3+s17], $0x80, s29, s17, $0xb8;
	[tilespmem:$0x17000] =	vst v63  }
0x75: {  	_ = 	snop  }
0x76: {  	[tilespmem:s20], [sflag:$0x1] =	stream.indirect.gather [hbm4b:s5+s17], $0x80, s28, s17, $0xb8;
	[tilespmem:$0x17000] =	vst v63  }
0x77: {  	_ =	swait.ge [sflag:s25], $0x2800  }
0x78: {  	[sflag:s25] =	ssyncset.done $0x0  }
0x79: {  	[sflag:s25] =	ssyncadd.s32 $0xFFFFD800  }
0x7a: {  	_ =	swait.ge [sflag:s25], $0x2800  }
0x7b: {  	[sflag:s25] =	ssyncset.done $0x0  }
0x7c: {  	[sflag:s25] =	ssyncadd.s32 $0xFFFFD800  }
0x7d: {  	_ =	swait.ge [sflag:s25], $0x2800  }
0x7e: {  	[sflag:s25] =	ssyncset.done $0x0  }
0x7f: {  	s0 =	sadd.s32 $0x500, s0;
	[sflag:s25] =	ssyncadd.s32 $0xFFFFD800  }
0x80: {  	[hbm4b:s0+s4] =	stream.linear.scatter [tilespmem:s21], [sflag:$0x3], $0x2800, $0x38;
	[tilespmem:$0x17000] =	vst v63  }
0x81: {  	_ =	swait.ge [sflag:s15], $0x2800  }
0x82: {  	[sflag:s15] =	ssyncset.done $0x0  }
0x83: {  	s0 =	sadd.s32 $0x500, s6;
	[sflag:s15] =	ssyncadd.s32 $0xFFFFD800  }
0x84: {  	[hbm4b:s0+s4] =	stream.linear.scatter [tilespmem:s22], [sflag:$0x3], $0x2800, $0x38;
	[tilespmem:$0x17000] =	vst v63  }
0x85: {  	_ =	swait.ge [sflag:s15], $0x2800  }
.Ltmp0:
0x86: {  	[sflag:s15] =	ssyncset.done $0x0;
	(pc) =	sbr.rel @p0 .LBB2_2-.Ltmp0, $4  }
0x87: {  	s0 =	sadd.s32 $0x500, s7;
	[sflag:s15] =	ssyncadd.s32 $0xFFFFD800  }
0x88: {  	[hbm4b:s0+s4] =	stream.linear.scatter [tilespmem:s23], [sflag:$0x3], $0x2800, $0x38;
	[tilespmem:$0x17000] =	vst v63  }
0x89: {  	_ =	swait.ge [sflag:s15], $0x2800  }
0x8a: {  	s28 =	sadd.s32 $0x100, s28;
	[sflag:s15] =	ssyncset.done $0x0  }
0x8b: {  	s0 =	sadd.s32 $0xFFFFFF80, s28;
	[sflag:s15] =	ssyncadd.s32 $0xFFFFD800;
	s2 =	sadd.s32 $0x100, s29  }
0x8c: {  	[tilespmem:s21], [sflag:$0x2] =	stream.indirect.gather [hbm4b:s1+s17], $0x80, s0, s17, $0xb8;
	[tilespmem:$0x17000] =	vst v63  }
0x8d: {  	s6 =	sadd.s32 $0xFFFFFF80, s2  }
0x8e: {  	[tilespmem:s22], [sflag:$0x2] =	stream.indirect.gather [hbm4b:s3+s17], $0x80, s6, s17, $0xb8;
	[tilespmem:$0x17000] =	vst v63  }
0x8f: {  	_ = 	snop  }
0x90: {  	[tilespmem:s23], [sflag:$0x2] =	stream.indirect.gather [hbm4b:s5+s17], $0x80, s0, s17, $0xb8;
	[tilespmem:$0x17000] =	vst v63  }
0x91: {  	_ =	swait.ge [sflag:s24], $0x2800  }
0x92: {  	[sflag:s24] =	ssyncset.done $0x0  }
0x93: {  	[sflag:s24] =	ssyncadd.s32 $0xFFFFD800  }
0x94: {  	_ =	swait.ge [sflag:s24], $0x2800  }
0x95: {  	[sflag:s24] =	ssyncset.done $0x0  }
0x96: {  	[sflag:s24] =	ssyncadd.s32 $0xFFFFD800  }
0x97: {  	_ =	swait.ge [sflag:s24], $0x2800  }
0x98: {  	[sflag:s24] =	ssyncset.done $0x0  }
0x99: {  	s6 =	sadd.s32 s30, s12;
	[sflag:s24] =	ssyncadd.s32 $0xFFFFD800  }
0x9a: {  	[hbm4b:s6+s4] =	stream.linear.scatter [tilespmem:s18], [sflag:$0x3], $0x2800, $0x38;
	[tilespmem:$0x17000] =	vst v63  }
0x9b: {  	_ =	swait.ge [sflag:s15], $0x2800  }
0x9c: {  	[sflag:s15] =	ssyncset.done $0x0  }
0x9d: {  	s29 =	sadd.s32 s30, s13;
	[sflag:s15] =	ssyncadd.s32 $0xFFFFD800  }
0x9e: {  	[hbm4b:s29+s4] =	stream.linear.scatter [tilespmem:s19], [sflag:$0x3], $0x2800, $0x38;
	[tilespmem:$0x17000] =	vst v63  }
0x9f: {  	_ =	swait.ge [sflag:s15], $0x2800  }
0xa0: {  	[sflag:s15] =	ssyncset.done $0x0  }
0xa1: {  	s7 =	sadd.s32 s30, s14;
	[sflag:s15] =	ssyncadd.s32 $0xFFFFD800  }
0xa2: {  	[hbm4b:s7+s4] =	stream.linear.scatter [tilespmem:s20], [sflag:$0x3], $0x2800, $0x38;
	[tilespmem:$0x17000] =	vst v63  }
0xa3: {  	_ =	swait.ge [sflag:s15], $0x2800  }
0xa4: {  	[sflag:s15] =	ssyncset.done $0x0  }
0xa5: {  	[sflag:s15] =	ssyncadd.s32 $0xFFFFD800  }
0xa6: {  	[tilespmem:s18], [sflag:$0x1] =	stream.indirect.gather [hbm4b:s1+s17], $0x80, s28, s17, $0xb8;
	[tilespmem:$0x17000] =	vst v63  }
0xa7: {  	_ = 	snop  }
0xa8: {  	[tilespmem:s19], [sflag:$0x1] =	stream.indirect.gather [hbm4b:s3+s17], $0x80, s2, s17, $0xb8;
	[tilespmem:$0x17000] =	vst v63  }
0xa9: {  	_ = 	snop  }
0xaa: {  	[tilespmem:s20], [sflag:$0x1] =	stream.indirect.gather [hbm4b:s5+s17], $0x80, s28, s17, $0xb8;
	[tilespmem:$0x17000] =	vst v63  }
0xab: {  	_ =	swait.ge [sflag:s25], $0x2800  }
0xac: {  	[sflag:s25] =	ssyncset.done $0x0  }
0xad: {  	[sflag:s25] =	ssyncadd.s32 $0xFFFFD800  }
0xae: {  	_ =	swait.ge [sflag:s25], $0x2800  }
0xaf: {  	[sflag:s25] =	ssyncset.done $0x0  }
0xb0: {  	[sflag:s25] =	ssyncadd.s32 $0xFFFFD800  }
0xb1: {  	_ =	swait.ge [sflag:s25], $0x2800  }
0xb2: {  	[sflag:s25] =	ssyncset.done $0x0  }
0xb3: {  	s0 =	sadd.s32 $0x500, s6;
	[sflag:s25] =	ssyncadd.s32 $0xFFFFD800  }
0xb4: {  	[hbm4b:s0+s4] =	stream.linear.scatter [tilespmem:s21], [sflag:$0x3], $0x2800, $0x38;
	[tilespmem:$0x17000] =	vst v63  }
0xb5: {  	_ =	swait.ge [sflag:s15], $0x2800  }
0xb6: {  	[sflag:s15] =	ssyncset.done $0x0  }
0xb7: {  	s30 =	sadd.s32 $0x500, s29;
	[sflag:s15] =	ssyncadd.s32 $0xFFFFD800  }
0xb8: {  	[hbm4b:s30+s4] =	stream.linear.scatter [tilespmem:s22], [sflag:$0x3], $0x2800, $0x38;
	[tilespmem:$0x17000] =	vst v63  }
0xb9: {  	_ =	swait.ge [sflag:s15], $0x2800  }
0xba: {  	[sflag:s15] =	ssyncset.done $0x0  }
0xbb: {  	s31 =	sadd.s32 $0x500, s7;
	[sflag:s15] =	ssyncadd.s32 $0xFFFFD800  }
0xbc: {  	[hbm4b:s31+s4] =	stream.linear.scatter [tilespmem:s23], [sflag:$0x3], $0x2800, $0x38;
	[tilespmem:$0x17000] =	vst v63  }
0xbd: {  	_ =	swait.ge [sflag:s15], $0x2800  }
0xbe: {  	[sflag:s15] =	ssyncset.done $0x0  }
0xbf: {  	[sflag:s15] =	ssyncadd.s32 $0xFFFFD800  }
0xc0: {  	_ =	swait.ge [sflag:s24], $0x2800  }
0xc1: {  	[sflag:s24] =	ssyncset.done $0x0  }
0xc2: {  	[sflag:s24] =	ssyncadd.s32 $0xFFFFD800  }
0xc3: {  	_ =	swait.ge [sflag:s24], $0x2800  }
0xc4: {  	[sflag:s24] =	ssyncset.done $0x0  }
0xc5: {  	[sflag:s24] =	ssyncadd.s32 $0xFFFFD800  }
0xc6: {  	_ =	swait.ge [sflag:s24], $0x2800  }
0xc7: {  	[sflag:s24] =	ssyncset.done $0x0  }
0xc8: {  	[sflag:s24] =	ssyncadd.s32 $0xFFFFD800  }
0xc9: {  	[hbm4b:s8+s4] =	stream.linear.scatter [tilespmem:s18], [sflag:$0x3], $0x2800, $0x38;
	[tilespmem:$0x17000] =	vst v63  }
0xca: {  	_ =	swait.ge [sflag:s15], $0x2800  }
0xcb: {  	[sflag:s15] =	ssyncset.done $0x0  }
0xcc: {  	[sflag:s15] =	ssyncadd.s32 $0xFFFFD800  }
0xcd: {  	[hbm4b:s9+s4] =	stream.linear.scatter [tilespmem:s19], [sflag:$0x3], $0x2800, $0x38;
	[tilespmem:$0x17000] =	vst v63  }
0xce: {  	s26 =	sadd.s32 $0x1, s26;
	_ =	swait.ge [sflag:s15], $0x2800  }
0xcf: {  	p0 =	sne.s32 s26, s11;
	[sflag:s15] =	ssyncset.done $0x0  }
.Ltmp1:
0xd0: {  	[sflag:s15] =	ssyncadd.s32 $0xFFFFD800;
	(pc) =	sbr.rel @p0 .LBB2_1-.Ltmp1, $4  }
0xd1: {  	[hbm4b:s10+s4] =	stream.linear.scatter [tilespmem:s20], [sflag:$0x3], $0x2800, $0x38;
	[tilespmem:$0x17000] =	vst v63  }
0xd2: {  	_ =	swait.ge [sflag:s15], $0x2800  }
0xd3: {  	[sflag:s15] =	ssyncset.done $0x0  }
0xd4: {  	[sflag:s15] =	ssyncadd.s32 $0xFFFFD800  }
0xd5: {  	_ =	sfence.sel $0x180000  }
0xd6: {  	[bflag:$0x0] =	sbarrier.arrive $0xFFFF  }
0xd7: {  	_ =	strace $0x90000047  }
0xd8: {  	s0 =	stileid.u32;
	[bflag:$0x2] =	sbarrier.arrive $0xFFFF  }
0xd9: {  	p0 =	sne.s32 s0, $0x0;
	s0 =	rddreg [dreg:$0x3]  }
0xda: {  	s0 =	sadd.s32 @!p0 $0x100000, s0  }
0xdb: {  	[sflag:s0] =	ssyncadd.tile.s32 @!p0 $0x1;
	_ =	shalt  }
.Lfunc_end2:
_tile_overlayer_lowered:
.L_overlay_start_2:
0xdc: {  	(tag) =	ssettag $0x2  }
0xdd: {  	s0 =	rddreg [dreg:$0x0];
	s2 =	stileid.u32  }
0xde: {  	s1 =	rddreg [dreg:$0x1];
	p0 =	sne.s32 s2, $0x0  }
0xdf: {  	s3 =	rddreg [dreg:$0x2];
	[bflag:$0x3] =	sbarrier.arrive $0xFFFF;
	s2 =	simm.s32 @!p0 $0x1C03  }
0xe0: {  	[timem:s3], [sflag:s2] =	dma.local @!p0 [hbm:s0], s1  }
0xe1: {  	s0 =	simm.s32 @!p0 $0x3  }
0xe2: {  	_ =	swait.ge @!p0 [sflag:s0], s1  }
0xe3: {  	s1 =	ssub.s32 @!p0 $0x0, s1;
	[sflag:s0] =	ssyncset.done @!p0 $0x0  }
0xe4: {  	[sflag:s0] =	ssyncadd.s32 @!p0 s1  }
0xe5: {  	[bflag:$0x3] =	sbarrier.arrive $0xFFFF  }
0xe6: {  	_ =	shalt  }

</sc_bundles>
